<compile_context>
chip_gen: v7x
topology: tpu7x:2x2x1
jax: 0.10.2.dev20260603
libtpu: 0.0.44.dev20260713+nightly
codegen_flags: <defaults>
</compile_context>

<pallas_src>
import functools

import jax
import jax.numpy as jnp
from jax import lax
from jax.experimental import pallas as pl
from jax.experimental.pallas import tpu as pltpu
from jax.experimental.pallas import tpu_sc as plsc

_TOP_K = 20
_L = 16
_SG = 128
_GPR = _SG // _L
_NEG_INF = float("-inf")

_SC_CORES = 2
_SC_SUBCORES = 16
_SC_WORKERS = _SC_CORES * _SC_SUBCORES

_CH_CHUNK = 16


def _stage1_kernel(feat_ref, mask_ref, max_ref, avg_ref, xt_ref, idx_ref, nv_ref):
    T, D = feat_ref.shape[1], feat_ref.shape[2]
    G = T // _L
    NSG = T // _SG
    b = pl.program_id(0)

    x = feat_ref[0]
    mk = mask_ref[0]
    valid = mk != 0
    xm = jnp.where(valid, x, _NEG_INF)

    s = jnp.sum(jnp.where(valid, x, 0.0), axis=0, keepdims=True)
    cnt = jnp.sum(valid.astype(jnp.float32))
    avg_ref[0] = s / jnp.maximum(cnt, 1.0)

    m0 = jnp.max(xm, axis=0, keepdims=True)
    max_ref[0] = jnp.where(m0 == _NEG_INF, 0.0, m0)

    for c in range(NSG):
        xt_ref[pl.ds(c * D, D), :] = xm[c * _SG:(c + 1) * _SG, :].T

    M = jnp.max(xm.reshape(G, _L, D), axis=1)

    iota_g = lax.broadcasted_iota(jnp.int32, (G, D), 0)
    iota_d = lax.broadcasted_iota(jnp.int32, (1, D), 1)

    def body(j, carry):
        Mc, nval = carry
        m = jnp.max(Mc, axis=0, keepdims=True)
        eq = Mc == m
        gsel = jnp.min(jnp.where(eq, iota_g, G), axis=0, keepdims=True)
        Mc = jnp.where(iota_g == gsel, _NEG_INF, Mc)
        finite = m > _NEG_INF
        nval = nval + finite.astype(jnp.float32)
        row = (b * NSG + (gsel >> 3)) * D + iota_d
        idx_ref[0, pl.ds(j, 1), :] = (row << 3) + (gsel & 7)
        return Mc, nval

    _, nval = lax.fori_loop(0, _TOP_K, body, (M, jnp.zeros((1, D), jnp.float32)))
    nv_ref[0] = nval


def _sc_gather(table, idx_flat, num_channels):
    n_ch_per_w = num_channels // _SC_WORKERS
    n_chunks = n_ch_per_w // _CH_CHUNK
    cands = _CH_CHUNK * _TOP_K
    nb = cands // 16
    width = _TOP_K * _L
    ids_per_w = n_ch_per_w * _TOP_K
    mesh = plsc.VectorSubcoreMesh(core_axis_name="c", subcore_axis_name="s")

    @functools.partial(
        pl.kernel, mesh=mesh,
        out_type=jax.ShapeDtypeStruct((num_channels, width), jnp.float32),
        scratch_types=[
            pltpu.VMEM((ids_per_w,), jnp.int32),
            pltpu.VMEM((cands,), jnp.int32),
            pltpu.VMEM((cands,), jnp.int32),
            pltpu.VMEM((cands, _SG), jnp.float32),
            pltpu.VMEM((cands, _SG), jnp.float32),
            pltpu.VMEM((_CH_CHUNK, width), jnp.float32),
            pltpu.SemaphoreType.DMA,
            pltpu.SemaphoreType.DMA,
        ],
        compiler_params=pltpu.CompilerParams(needs_layout_passes=False),
    )
    def gather_k(table_hbm, idx_hbm, out_hbm, ids_v, rows0, rows1, buf0,
                 buf1, out_v, sem0, sem1):
        wid = lax.axis_index("s") * _SC_CORES + lax.axis_index("c")
        ch0 = wid * n_ch_per_w
        lanes = lax.iota(jnp.int32, 16)
        pltpu.sync_copy(idx_hbm.at[pl.ds(ch0 * _TOP_K, ids_per_w)], ids_v)

        def fill_rows(c, rref):
            def frow(i, carry):
                rref[pl.ds(i * 16, 16)] = ids_v[pl.ds(c * cands + i * 16, 16)] >> 3
                return carry
            lax.fori_loop(0, nb, frow, 0)

        def subselect(c, bref):
            def srow(i, carry):
                ids = ids_v[pl.ds(c * cands + i * 16, 16)]
                p = ids & 7
                cidx = i * 16 + lanes
                ch = (cidx * 52429) >> 20
                col0 = (cidx - ch * _TOP_K) * _L
                for l in range(_L):
                    val = plsc.load_gather(bref, [cidx, p * _L + l])
                    plsc.store_scatter(out_v, [ch, col0 + l], val)
                return carry
            lax.fori_loop(0, nb, srow, 0)
            pltpu.sync_copy(out_v, out_hbm.at[pl.ds(ch0 + c * _CH_CHUNK, _CH_CHUNK)])

        fill_rows(0, rows0)
        pltpu.async_copy(table_hbm.at[rows0], buf0, sem0)

        def body(k, carry):
            c0 = k * 2
            fill_rows(c0 + 1, rows1)
            pltpu.async_copy(table_hbm.at[rows1], buf1, sem1)
            pltpu.make_async_copy(table_hbm.at[rows0], buf0, sem0).wait()
            subselect(c0, buf0)

            @pl.when(k < n_chunks // 2 - 1)
            def _prefetch():
                fill_rows(c0 + 2, rows0)
                pltpu.async_copy(table_hbm.at[rows0], buf0, sem0)

            pltpu.make_async_copy(table_hbm.at[rows1], buf1, sem1).wait()
            subselect(c0 + 1, buf1)
            return carry

        lax.fori_loop(0, n_chunks // 2, body, 0)

    return gather_k(table, idx_flat)


def _stage3_kernel(c_ref, nv_ref, out_ref):
    R, W = c_ref.shape
    x = c_ref[...]
    nv = nv_ref[...]
    slot = lax.broadcasted_iota(jnp.int32, (R, W), 1) // _L
    xv = jnp.where(slot.astype(jnp.float32) < nv, x, _NEG_INF)

    def body(_, carry):
        v, acc, rem = carry
        xlt = jnp.where(xv < v, xv, _NEG_INF)
        m = jnp.max(xlt, axis=1, keepdims=True)
        c = jnp.sum((xv == m).astype(jnp.float32), axis=1, keepdims=True)
        finite = m > _NEG_INF
        take = jnp.where(finite, jnp.minimum(c, rem), 0.0)
        acc = acc + take * jnp.where(finite, m, 0.0)
        rem = rem - take
        return m, acc, rem

    init = (jnp.full((R, 1), jnp.inf, jnp.float32),
            jnp.zeros((R, 1), jnp.float32),
            jnp.full((R, 1), float(_TOP_K), jnp.float32))
    _, acc, _ = lax.fori_loop(0, _TOP_K, body, init)
    out_ref[...] = acc / float(_TOP_K)


def _stage1_call(features, mask3):
    B, T, D = features.shape
    NSG = T // _SG
    return pl.pallas_call(
        _stage1_kernel,
        grid=(B,),
        in_specs=[
            pl.BlockSpec((1, T, D), lambda b: (b, 0, 0)),
            pl.BlockSpec((1, T, 1), lambda b: (b, 0, 0)),
        ],
        out_specs=[
            pl.BlockSpec((1, 1, D), lambda b: (b, 0, 0)),
            pl.BlockSpec((1, 1, D), lambda b: (b, 0, 0)),
            pl.BlockSpec((NSG * D, _SG), lambda b: (b, 0)),
            pl.BlockSpec((1, _TOP_K, D), lambda b: (b, 0, 0)),
            pl.BlockSpec((1, 1, D), lambda b: (b, 0, 0)),
        ],
        out_shape=[
            jax.ShapeDtypeStruct((B, 1, D), jnp.float32),
            jax.ShapeDtypeStruct((B, 1, D), jnp.float32),
            jax.ShapeDtypeStruct((B * NSG * D, _SG), jnp.float32),
            jax.ShapeDtypeStruct((B, _TOP_K, D), jnp.int32),
            jax.ShapeDtypeStruct((B, 1, D), jnp.float32),
        ],
        compiler_params=pltpu.CompilerParams(
            dimension_semantics=("arbitrary",),
        ),
    )(features, mask3)


def _stage3_call(cands, nv_rows):
    BD, W = cands.shape
    R = 2048
    return pl.pallas_call(
        _stage3_kernel,
        grid=(BD // R,),
        in_specs=[
            pl.BlockSpec((R, W), lambda i: (i, 0)),
            pl.BlockSpec((R, 1), lambda i: (i, 0)),
        ],
        out_specs=pl.BlockSpec((R, 1), lambda i: (i, 0)),
        out_shape=jax.ShapeDtypeStruct((BD, 1), jnp.float32),
        compiler_params=pltpu.CompilerParams(
            dimension_semantics=("arbitrary",),
        ),
    )(cands, nv_rows)


@jax.jit
def kernel(features, mask):
    B, T, D = features.shape
    NSG = T // _SG
    mask3 = mask.reshape(B, T, 1).astype(jnp.int32)

    max_p, avg_p, table, idx, nv = _stage1_call(features, mask3)

    idx_flat = jnp.swapaxes(idx, 1, 2).reshape(B * D * _TOP_K)
    cands = _sc_gather(table, idx_flat, B * D)
    nv_rows = nv.reshape(B * D, 1)

    topk = _stage3_call(cands, nv_rows).reshape(B, D)
    return jnp.concatenate([max_p[:, 0, :], avg_p[:, 0, :], topk], axis=1)

# --- scband reference (transcript-rebuilt; emitter-appended) ---
"""Pipeline reference for scband-avg-max-pool-25984552140919 (READ-ONLY COPY).

The authoritative reference and input builder live on the scoring server;
editing this copy changes nothing except your own understanding.
"""

import jax, jax.numpy as jnp
import numpy as np

TOP_K = 20

def setup_inputs(seed: int = 0) -> dict:
    key = jax.random.key(seed)
    k1, k2 = jax.random.split(key)
    features = jax.random.normal(k1, (64, 4096, 256), dtype=jnp.float32)
    mask = jax.random.randint(k2, (64, 4096), 0, 2, dtype=jnp.int32)
    return {"features": features, "mask": mask}

def reference(features, mask):
    neg_inf = jnp.float32(-jnp.inf)
    padding_mask = (mask == 0)
    # max pool over valid positions
    masked_max = jnp.where(padding_mask[:, :, None], neg_inf, features)
    max_pool = jnp.max(masked_max, axis=1)
    max_pool = jnp.where(max_pool == neg_inf, jnp.zeros_like(max_pool), max_pool)
    # avg pool over valid positions
    masked_avg = jnp.where(padding_mask[:, :, None], jnp.float32(0.0), features)
    sum_pool = jnp.sum(masked_avg, axis=1)
    valid_counts = jnp.clip(jnp.sum(~padding_mask, axis=1)[:, None], 1, None).astype(features.dtype)
    avg_pool = sum_pool / valid_counts
    # top-k avg pool along time dim (dim=1), per feature channel
    k = min(TOP_K, features.shape[1])
    topk_vals, _ = jax.lax.top_k(jnp.transpose(masked_max, (0, 2, 1)), k)  # (B, D, k)
    topk_vals = jnp.where(topk_vals == neg_inf, jnp.zeros_like(topk_vals), topk_vals)
    topk_avg_pool = jnp.mean(topk_vals, axis=-1)  # (B, D)
    pooled = jnp.concatenate([max_pool, avg_pool, topk_avg_pool], axis=1)
    return pooled

if __name__ == "__main__":
    import jax
    _d = setup_inputs()
    print(jax.jit(kernel)(*tuple(_d.values())))

</pallas_src>

<mosaic_0001>
#map = affine_map<(d0, d1) -> (0, 0)>
#map1 = affine_map<(d0, d1) -> (0)>
module attributes {stable_mosaic.version = 14 : i64} {
  func.func @gather_k(%arg0: i32, %arg1: i32, %arg2: memref<524288x128xf32, #tpu.memory_space<hbm>>, %arg3: memref<327680xi32, #tpu.memory_space<hbm>>, %arg4: memref<16384x320xf32, #tpu.memory_space<hbm>>, %arg5: memref<10240xi32, #tpu.memory_space<vmem>>, %arg6: memref<320xi32, #tpu.memory_space<vmem>>, %arg7: memref<320xi32, #tpu.memory_space<vmem>>, %arg8: memref<320x128xf32, #tpu.memory_space<vmem>>, %arg9: memref<320x128xf32, #tpu.memory_space<vmem>>, %arg10: memref<16x320xf32, #tpu.memory_space<vmem>>, %arg11: memref<!tpu.dma_semaphore, #tpu.memory_space<semaphore_mem>>, %arg12: memref<!tpu.dma_semaphore, #tpu.memory_space<semaphore_mem>>) attributes {dimension_semantics = [#tpu.dimension_semantics<core_parallel>, #tpu.dimension_semantics<subcore_parallel>], iteration_bounds = array<i64: 2, 16>, scalar_prefetch = 0 : i64, scratch_operands = 8 : i64, tpu.core_type = #tpu.core_type<sc_vector_subcore>, window_params = [{transform_indices = #map}, {transform_indices = #map1}, {transform_indices = #map}]} {
    %mul3A = arith.constant 2 : i32
    %mul3A_0 = arith.muli %arg1, %mul3A : i32
    %add3A = arith.addi %mul3A_0, %arg0 : i32
    %mul3A_1 = arith.constant 512 : i32
    %mul3A_2 = arith.muli %add3A, %mul3A_1 : i32
    %iota3A = tpu.iota {dimensions = array<i32: 0>} : vector<16xi32>
    %mul3A_3 = arith.constant 20 : i32
    %mul3A_4 = arith.muli %mul3A_2, %mul3A_3 : i32
    "tpu.region"() ({
      %run_scoped3A = tpu.sem_alloc : memref<!tpu.dma_semaphore, #tpu.memory_space<semaphore_mem>>
      %dma_start3A_18 = tpu.memref_slice %arg3[%mul3A_4] : memref<327680xi32, #tpu.memory_space<hbm>> -> memref<10240xi32, #tpu.memory_space<hbm>>
      %dma_start3A_19 = tpu.memref_slice %arg3[%mul3A_4] : memref<327680xi32, #tpu.memory_space<hbm>> -> memref<10240xi32, #tpu.memory_space<hbm>>
      tpu.enqueue_dma source(%dma_start3A_19 : memref<10240xi32, #tpu.memory_space<hbm>>) target(%arg5 : memref<10240xi32, #tpu.memory_space<vmem>>) target_semaphore(%run_scoped3A : memref<!tpu.dma_semaphore, #tpu.memory_space<semaphore_mem>>)
      %dma_wait3A = tpu.memref_slice %arg3[%mul3A_4] : memref<327680xi32, #tpu.memory_space<hbm>> -> memref<10240xi32, #tpu.memory_space<hbm>>
      %dma_wait3A_20 = tpu.memref_slice %arg3[%mul3A_4] : memref<327680xi32, #tpu.memory_space<hbm>> -> memref<10240xi32, #tpu.memory_space<hbm>>
      tpu.wait_dma2 semaphore(%run_scoped3A : memref<!tpu.dma_semaphore, #tpu.memory_space<semaphore_mem>>) src(%dma_wait3A_20 : memref<10240xi32, #tpu.memory_space<hbm>>) dst(%arg5 : memref<10240xi32, #tpu.memory_space<vmem>>)
      tpu.yield
    }) : () -> ()
    %scan3A = arith.constant 0 : i32
    %scan3A_5 = arith.constant 0 : i32
    %scan3A_6 = arith.constant 20 : i32
    %scan3A_7 = arith.addi %scan3A_5, %scan3A_6 : i32
    %scan3A_8 = arith.constant 1 : i32
    scf.for %scan3A_18 = %scan3A_5 to %scan3A_7 step %scan3A_8  : i32 {
      %mul3A_19 = arith.constant 16 : i32
      %mul3A_20 = arith.muli %scan3A_18, %mul3A_19 : i32
      %add3A_21 = arith.constant 0 : i32
      %add3A_22 = arith.addi %add3A_21, %mul3A_20 : i32
      %get3A = arith.index_cast %add3A_22 : i32 to index
      %get3A_23 = tpu.vector_load %arg5[%get3A] {strides = array<i32>} : memref<10240xi32, #tpu.memory_space<vmem>>, vector<16xi32>,
      %shift_right_arithmetic3A = arith.constant 3 : i32
      %shift_right_arithmetic3A_24 = vector.broadcast %shift_right_arithmetic3A : i32 to vector<16xi32>
      %shift_right_arithmetic3A_25 = arith.shrsi %get3A_23, %shift_right_arithmetic3A_24 : vector<16xi32>
      %mul3A_26 = arith.constant 16 : i32
      %mul3A_27 = arith.muli %scan3A_18, %mul3A_26 : i32
      %swap3A = arith.index_cast %mul3A_27 : i32 to index
      %swap3A_28 = tpu.vector_load %arg6[%swap3A] {strides = array<i32>} : memref<320xi32, #tpu.memory_space<vmem>>, vector<16xi32>,
      tpu.vector_store %arg6[%swap3A], %shift_right_arithmetic3A_25 {strides = array<i32>} : memref<320xi32, #tpu.memory_space<vmem>>, vector<16xi32>,
    }
    %scan3A_9 = arith.constant 20 : i32
    %dma_start3A = arith.constant 0 : i32
    %dma_start3A_10 = arith.constant 0 : i32
    %dma_start3A_11 = tpu.memref_slice %arg2[%dma_start3A, %dma_start3A_10] : memref<524288x128xf32, #tpu.memory_space<hbm>> -> memref<524288x128xf32, #tpu.memory_space<hbm>>
    tpu.enqueue_indirect_dma source(%dma_start3A_11 : memref<524288x128xf32, #tpu.memory_space<hbm>>) target(%arg8 : memref<320x128xf32, #tpu.memory_space<vmem>>) offsets(%arg6 : memref<320xi32, #tpu.memory_space<vmem>>) semaphore(%arg11 : memref<!tpu.dma_semaphore, #tpu.memory_space<semaphore_mem>>)
    %scan3A_12 = arith.constant 0 : i32
    %scan3A_13 = arith.constant 0 : i32
    %scan3A_14 = arith.constant 16 : i32
    %scan3A_15 = arith.addi %scan3A_13, %scan3A_14 : i32
    %scan3A_16 = arith.constant 1 : i32
    scf.for %scan3A_18 = %scan3A_13 to %scan3A_15 step %scan3A_16  : i32 {
      %mul3A_19 = arith.constant 2 : i32
      %mul3A_20 = arith.muli %scan3A_18, %mul3A_19 : i32
      %add3A_21 = arith.constant 1 : i32
      %add3A_22 = arith.addi %mul3A_20, %add3A_21 : i32
      %scan3A_23 = arith.constant 0 : i32
      %scan3A_24 = arith.constant 0 : i32
      %scan3A_25 = arith.constant 20 : i32
      %scan3A_26 = arith.addi %scan3A_24, %scan3A_25 : i32
      %scan3A_27 = arith.constant 1 : i32
      scf.for %scan3A_59 = %scan3A_24 to %scan3A_26 step %scan3A_27  : i32 {
        %mul3A_60 = arith.constant 320 : i32
        %mul3A_61 = arith.muli %add3A_22, %mul3A_60 : i32
        %mul3A_62 = arith.constant 16 : i32
        %mul3A_63 = arith.muli %scan3A_59, %mul3A_62 : i32
        %add3A_64 = arith.addi %mul3A_61, %mul3A_63 : i32
        %get3A = arith.index_cast %add3A_64 : i32 to index
        %get3A_65 = tpu.vector_load %arg5[%get3A] {strides = array<i32>} : memref<10240xi32, #tpu.memory_space<vmem>>, vector<16xi32>,
        %shift_right_arithmetic3A = arith.constant 3 : i32
        %shift_right_arithmetic3A_66 = vector.broadcast %shift_right_arithmetic3A : i32 to vector<16xi32>
        %shift_right_arithmetic3A_67 = arith.shrsi %get3A_65, %shift_right_arithmetic3A_66 : vector<16xi32>
        %mul3A_68 = arith.constant 16 : i32
        %mul3A_69 = arith.muli %scan3A_59, %mul3A_68 : i32
        %swap3A = arith.index_cast %mul3A_69 : i32 to index
        %swap3A_70 = tpu.vector_load %arg7[%swap3A] {strides = array<i32>} : memref<320xi32, #tpu.memory_space<vmem>>, vector<16xi32>,
        tpu.vector_store %arg7[%swap3A], %shift_right_arithmetic3A_67 {strides = array<i32>} : memref<320xi32, #tpu.memory_space<vmem>>, vector<16xi32>,
      }
      %scan3A_28 = arith.constant 20 : i32
      %dma_start3A_29 = arith.constant 0 : i32
      %dma_start3A_30 = arith.constant 0 : i32
      %dma_start3A_31 = tpu.memref_slice %arg2[%dma_start3A_29, %dma_start3A_30] : memref<524288x128xf32, #tpu.memory_space<hbm>> -> memref<524288x128xf32, #tpu.memory_space<hbm>>
      tpu.enqueue_indirect_dma source(%dma_start3A_31 : memref<524288x128xf32, #tpu.memory_space<hbm>>) target(%arg9 : memref<320x128xf32, #tpu.memory_space<vmem>>) offsets(%arg7 : memref<320xi32, #tpu.memory_space<vmem>>) semaphore(%arg12 : memref<!tpu.dma_semaphore, #tpu.memory_space<semaphore_mem>>)
      %dma_wait3A = arith.constant 0 : i32
      %dma_wait3A_32 = arith.constant 0 : i32
      %dma_wait3A_33 = tpu.memref_slice %arg2[%dma_wait3A, %dma_wait3A_32] : memref<524288x128xf32, #tpu.memory_space<hbm>> -> memref<524288x128xf32, #tpu.memory_space<hbm>>
      tpu.wait_indirect_dma semaphore(%arg11 : memref<!tpu.dma_semaphore, #tpu.memory_space<semaphore_mem>>) src(%dma_wait3A_33 : memref<524288x128xf32, #tpu.memory_space<hbm>>) dst(%arg8 : memref<320x128xf32, #tpu.memory_space<vmem>>)
      %scan3A_34 = arith.constant 0 : i32
      %scan3A_35 = arith.constant 0 : i32
      %scan3A_36 = arith.constant 20 : i32
      %scan3A_37 = arith.addi %scan3A_35, %scan3A_36 : i32
      %scan3A_38 = arith.constant 1 : i32
      scf.for %scan3A_59 = %scan3A_35 to %scan3A_37 step %scan3A_38  : i32 {
        %mul3A_60 = arith.constant 320 : i32
        %mul3A_61 = arith.muli %mul3A_20, %mul3A_60 : i32
        %mul3A_62 = arith.constant 16 : i32
        %mul3A_63 = arith.muli %scan3A_59, %mul3A_62 : i32
        %add3A_64 = arith.addi %mul3A_61, %mul3A_63 : i32
        %get3A = arith.index_cast %add3A_64 : i32 to index
        %get3A_65 = tpu.vector_load %arg5[%get3A] {strides = array<i32>} : memref<10240xi32, #tpu.memory_space<vmem>>, vector<16xi32>,
        %and3A = arith.constant 7 : i32
        %and3A_66 = vector.broadcast %and3A : i32 to vector<16xi32>
        %and3A_67 = arith.andi %get3A_65, %and3A_66 : vector<16xi32>
        %mul3A_68 = arith.constant 16 : i32
        %mul3A_69 = arith.muli %scan3A_59, %mul3A_68 : i32
        %add3A_70 = vector.broadcast %mul3A_69 : i32 to vector<16xi32>
        %add3A_71 = arith.addi %add3A_70, %iota3A : vector<16xi32>
        %mul3A_72 = arith.constant 52429 : i32
        %mul3A_73 = vector.broadcast %mul3A_72 : i32 to vector<16xi32>
        %mul3A_74 = arith.muli %add3A_71, %mul3A_73 : vector<16xi32>
        %shift_right_arithmetic3A = arith.constant 20 : i32
        %shift_right_arithmetic3A_75 = vector.broadcast %shift_right_arithmetic3A : i32 to vector<16xi32>
        %shift_right_arithmetic3A_76 = arith.shrsi %mul3A_74, %shift_right_arithmetic3A_75 : vector<16xi32>
        %mul3A_77 = arith.constant 20 : i32
        %mul3A_78 = vector.broadcast %mul3A_77 : i32 to vector<16xi32>
        %mul3A_79 = arith.muli %shift_right_arithmetic3A_76, %mul3A_78 : vector<16xi32>
        %sub3A = arith.subi %add3A_71, %mul3A_79 : vector<16xi32>
        %mul3A_80 = arith.constant 16 : i32
        %mul3A_81 = vector.broadcast %mul3A_80 : i32 to vector<16xi32>
        %mul3A_82 = arith.muli %sub3A, %mul3A_81 : vector<16xi32>
        %mul3A_83 = arith.constant 16 : i32
        %mul3A_84 = vector.broadcast %mul3A_83 : i32 to vector<16xi32>
        %mul3A_85 = arith.muli %and3A_67, %mul3A_84 : vector<16xi32>
        %add3A_86 = arith.constant 0 : i32
        %add3A_87 = vector.broadcast %add3A_86 : i32 to vector<16xi32>
        %add3A_88 = arith.addi %mul3A_85, %add3A_87 : vector<16xi32>
        %gather3A = tpu.vector_load_idx %arg8[%add3A_71, %add3A_88] : memref<320x128xf32, #tpu.memory_space<vmem>>[vector<16xi32>, vector<16xi32>], vector<16xf32>,
        %add3A_89 = arith.constant 0 : i32
        %add3A_90 = vector.broadcast %add3A_89 : i32 to vector<16xi32>
        %add3A_91 = arith.addi %mul3A_82, %add3A_90 : vector<16xi32>
        tpu.vector_store_idx %arg10[%shift_right_arithmetic3A_76, %add3A_91], %gather3A : memref<16x320xf32, #tpu.memory_space<vmem>>[vector<16xi32>, vector<16xi32>], vector<16xf32>,
        %mul3A_92 = arith.constant 16 : i32
        %mul3A_93 = vector.broadcast %mul3A_92 : i32 to vector<16xi32>
        %mul3A_94 = arith.muli %and3A_67, %mul3A_93 : vector<16xi32>
        %add3A_95 = arith.constant 1 : i32
        %add3A_96 = vector.broadcast %add3A_95 : i32 to vector<16xi32>
        %add3A_97 = arith.addi %mul3A_94, %add3A_96 : vector<16xi32>
        %gather3A_98 = tpu.vector_load_idx %arg8[%add3A_71, %add3A_97] : memref<320x128xf32, #tpu.memory_space<vmem>>[vector<16xi32>, vector<16xi32>], vector<16xf32>,
        %add3A_99 = arith.constant 1 : i32
        %add3A_100 = vector.broadcast %add3A_99 : i32 to vector<16xi32>
        %add3A_101 = arith.addi %mul3A_82, %add3A_100 : vector<16xi32>
        tpu.vector_store_idx %arg10[%shift_right_arithmetic3A_76, %add3A_101], %gather3A_98 : memref<16x320xf32, #tpu.memory_space<vmem>>[vector<16xi32>, vector<16xi32>], vector<16xf32>,
        %mul3A_102 = arith.constant 16 : i32
        %mul3A_103 = vector.broadcast %mul3A_102 : i32 to vector<16xi32>
        %mul3A_104 = arith.muli %and3A_67, %mul3A_103 : vector<16xi32>
        %add3A_105 = arith.constant 2 : i32
        %add3A_106 = vector.broadcast %add3A_105 : i32 to vector<16xi32>
        %add3A_107 = arith.addi %mul3A_104, %add3A_106 : vector<16xi32>
        %gather3A_108 = tpu.vector_load_idx %arg8[%add3A_71, %add3A_107] : memref<320x128xf32, #tpu.memory_space<vmem>>[vector<16xi32>, vector<16xi32>], vector<16xf32>,
        %add3A_109 = arith.constant 2 : i32
        %add3A_110 = vector.broadcast %add3A_109 : i32 to vector<16xi32>
        %add3A_111 = arith.addi %mul3A_82, %add3A_110 : vector<16xi32>
        tpu.vector_store_idx %arg10[%shift_right_arithmetic3A_76, %add3A_111], %gather3A_108 : memref<16x320xf32, #tpu.memory_space<vmem>>[vector<16xi32>, vector<16xi32>], vector<16xf32>,
        %mul3A_112 = arith.constant 16 : i32
        %mul3A_113 = vector.broadcast %mul3A_112 : i32 to vector<16xi32>
        %mul3A_114 = arith.muli %and3A_67, %mul3A_113 : vector<16xi32>
        %add3A_115 = arith.constant 3 : i32
        %add3A_116 = vector.broadcast %add3A_115 : i32 to vector<16xi32>
        %add3A_117 = arith.addi %mul3A_114, %add3A_116 : vector<16xi32>
        %gather3A_118 = tpu.vector_load_idx %arg8[%add3A_71, %add3A_117] : memref<320x128xf32, #tpu.memory_space<vmem>>[vector<16xi32>, vector<16xi32>], vector<16xf32>,
        %add3A_119 = arith.constant 3 : i32
        %add3A_120 = vector.broadcast %add3A_119 : i32 to vector<16xi32>
        %add3A_121 = arith.addi %mul3A_82, %add3A_120 : vector<16xi32>
        tpu.vector_store_idx %arg10[%shift_right_arithmetic3A_76, %add3A_121], %gather3A_118 : memref<16x320xf32, #tpu.memory_space<vmem>>[vector<16xi32>, vector<16xi32>], vector<16xf32>,
        %mul3A_122 = arith.constant 16 : i32
        %mul3A_123 = vector.broadcast %mul3A_122 : i32 to vector<16xi32>
        %mul3A_124 = arith.muli %and3A_67, %mul3A_123 : vector<16xi32>
        %add3A_125 = arith.constant 4 : i32
        %add3A_126 = vector.broadcast %add3A_125 : i32 to vector<16xi32>
        %add3A_127 = arith.addi %mul3A_124, %add3A_126 : vector<16xi32>
        %gather3A_128 = tpu.vector_load_idx %arg8[%add3A_71, %add3A_127] : memref<320x128xf32, #tpu.memory_space<vmem>>[vector<16xi32>, vector<16xi32>], vector<16xf32>,
        %add3A_129 = arith.constant 4 : i32
        %add3A_130 = vector.broadcast %add3A_129 : i32 to vector<16xi32>
        %add3A_131 = arith.addi %mul3A_82, %add3A_130 : vector<16xi32>
        tpu.vector_store_idx %arg10[%shift_right_arithmetic3A_76, %add3A_131], %gather3A_128 : memref<16x320xf32, #tpu.memory_space<vmem>>[vector<16xi32>, vector<16xi32>], vector<16xf32>,
        %mul3A_132 = arith.constant 16 : i32
        %mul3A_133 = vector.broadcast %mul3A_132 : i32 to vector<16xi32>
        %mul3A_134 = arith.muli %and3A_67, %mul3A_133 : vector<16xi32>
        %add3A_135 = arith.constant 5 : i32
        %add3A_136 = vector.broadcast %add3A_135 : i32 to vector<16xi32>
        %add3A_137 = arith.addi %mul3A_134, %add3A_136 : vector<16xi32>
        %gather3A_138 = tpu.vector_load_idx %arg8[%add3A_71, %add3A_137] : memref<320x128xf32, #tpu.memory_space<vmem>>[vector<16xi32>, vector<16xi32>], vector<16xf32>,
        %add3A_139 = arith.constant 5 : i32
        %add3A_140 = vector.broadcast %add3A_139 : i32 to vector<16xi32>
        %add3A_141 = arith.addi %mul3A_82, %add3A_140 : vector<16xi32>
        tpu.vector_store_idx %arg10[%shift_right_arithmetic3A_76, %add3A_141], %gather3A_138 : memref<16x320xf32, #tpu.memory_space<vmem>>[vector<16xi32>, vector<16xi32>], vector<16xf32>,
        %mul3A_142 = arith.constant 16 : i32
        %mul3A_143 = vector.broadcast %mul3A_142 : i32 to vector<16xi32>
        %mul3A_144 = arith.muli %and3A_67, %mul3A_143 : vector<16xi32>
        %add3A_145 = arith.constant 6 : i32
        %add3A_146 = vector.broadcast %add3A_145 : i32 to vector<16xi32>
        %add3A_147 = arith.addi %mul3A_144, %add3A_146 : vector<16xi32>
        %gather3A_148 = tpu.vector_load_idx %arg8[%add3A_71, %add3A_147] : memref<320x128xf32, #tpu.memory_space<vmem>>[vector<16xi32>, vector<16xi32>], vector<16xf32>,
        %add3A_149 = arith.constant 6 : i32
        %add3A_150 = vector.broadcast %add3A_149 : i32 to vector<16xi32>
        %add3A_151 = arith.addi %mul3A_82, %add3A_150 : vector<16xi32>
        tpu.vector_store_idx %arg10[%shift_right_arithmetic3A_76, %add3A_151], %gather3A_148 : memref<16x320xf32, #tpu.memory_space<vmem>>[vector<16xi32>, vector<16xi32>], vector<16xf32>,
        %mul3A_152 = arith.constant 16 : i32
        %mul3A_153 = vector.broadcast %mul3A_152 : i32 to vector<16xi32>
        %mul3A_154 = arith.muli %and3A_67, %mul3A_153 : vector<16xi32>
        %add3A_155 = arith.constant 7 : i32
        %add3A_156 = vector.broadcast %add3A_155 : i32 to vector<16xi32>
        %add3A_157 = arith.addi %mul3A_154, %add3A_156 : vector<16xi32>
        %gather3A_158 = tpu.vector_load_idx %arg8[%add3A_71, %add3A_157] : memref<320x128xf32, #tpu.memory_space<vmem>>[vector<16xi32>, vector<16xi32>], vector<16xf32>,
        %add3A_159 = arith.constant 7 : i32
        %add3A_160 = vector.broadcast %add3A_159 : i32 to vector<16xi32>
        %add3A_161 = arith.addi %mul3A_82, %add3A_160 : vector<16xi32>
        tpu.vector_store_idx %arg10[%shift_right_arithmetic3A_76, %add3A_161], %gather3A_158 : memref<16x320xf32, #tpu.memory_space<vmem>>[vector<16xi32>, vector<16xi32>], vector<16xf32>,
        %mul3A_162 = arith.constant 16 : i32
        %mul3A_163 = vector.broadcast %mul3A_162 : i32 to vector<16xi32>
        %mul3A_164 = arith.muli %and3A_67, %mul3A_163 : vector<16xi32>
        %add3A_165 = arith.constant 8 : i32
        %add3A_166 = vector.broadcast %add3A_165 : i32 to vector<16xi32>
        %add3A_167 = arith.addi %mul3A_164, %add3A_166 : vector<16xi32>
        %gather3A_168 = tpu.vector_load_idx %arg8[%add3A_71, %add3A_167] : memref<320x128xf32, #tpu.memory_space<vmem>>[vector<16xi32>, vector<16xi32>], vector<16xf32>,
        %add3A_169 = arith.constant 8 : i32
        %add3A_170 = vector.broadcast %add3A_169 : i32 to vector<16xi32>
        %add3A_171 = arith.addi %mul3A_82, %add3A_170 : vector<16xi32>
        tpu.vector_store_idx %arg10[%shift_right_arithmetic3A_76, %add3A_171], %gather3A_168 : memref<16x320xf32, #tpu.memory_space<vmem>>[vector<16xi32>, vector<16xi32>], vector<16xf32>,
        %mul3A_172 = arith.constant 16 : i32
        %mul3A_173 = vector.broadcast %mul3A_172 : i32 to vector<16xi32>
        %mul3A_174 = arith.muli %and3A_67, %mul3A_173 : vector<16xi32>
        %add3A_175 = arith.constant 9 : i32
        %add3A_176 = vector.broadcast %add3A_175 : i32 to vector<16xi32>
        %add3A_177 = arith.addi %mul3A_174, %add3A_176 : vector<16xi32>
        %gather3A_178 = tpu.vector_load_idx %arg8[%add3A_71, %add3A_177] : memref<320x128xf32, #tpu.memory_space<vmem>>[vector<16xi32>, vector<16xi32>], vector<16xf32>,
        %add3A_179 = arith.constant 9 : i32
        %add3A_180 = vector.broadcast %add3A_179 : i32 to vector<16xi32>
        %add3A_181 = arith.addi %mul3A_82, %add3A_180 : vector<16xi32>
        tpu.vector_store_idx %arg10[%shift_right_arithmetic3A_76, %add3A_181], %gather3A_178 : memref<16x320xf32, #tpu.memory_space<vmem>>[vector<16xi32>, vector<16xi32>], vector<16xf32>,
        %mul3A_182 = arith.constant 16 : i32
        %mul3A_183 = vector.broadcast %mul3A_182 : i32 to vector<16xi32>
        %mul3A_184 = arith.muli %and3A_67, %mul3A_183 : vector<16xi32>
        %add3A_185 = arith.constant 10 : i32
        %add3A_186 = vector.broadcast %add3A_185 : i32 to vector<16xi32>
        %add3A_187 = arith.addi %mul3A_184, %add3A_186 : vector<16xi32>
        %gather3A_188 = tpu.vector_load_idx %arg8[%add3A_71, %add3A_187] : memref<320x128xf32, #tpu.memory_space<vmem>>[vector<16xi32>, vector<16xi32>], vector<16xf32>,
        %add3A_189 = arith.constant 10 : i32
        %add3A_190 = vector.broadcast %add3A_189 : i32 to vector<16xi32>
        %add3A_191 = arith.addi %mul3A_82, %add3A_190 : vector<16xi32>
        tpu.vector_store_idx %arg10[%shift_right_arithmetic3A_76, %add3A_191], %gather3A_188 : memref<16x320xf32, #tpu.memory_space<vmem>>[vector<16xi32>, vector<16xi32>], vector<16xf32>,
        %mul3A_192 = arith.constant 16 : i32
        %mul3A_193 = vector.broadcast %mul3A_192 : i32 to vector<16xi32>
        %mul3A_194 = arith.muli %and3A_67, %mul3A_193 : vector<16xi32>
        %add3A_195 = arith.constant 11 : i32
        %add3A_196 = vector.broadcast %add3A_195 : i32 to vector<16xi32>
        %add3A_197 = arith.addi %mul3A_194, %add3A_196 : vector<16xi32>
        %gather3A_198 = tpu.vector_load_idx %arg8[%add3A_71, %add3A_197] : memref<320x128xf32, #tpu.memory_space<vmem>>[vector<16xi32>, vector<16xi32>], vector<16xf32>,
        %add3A_199 = arith.constant 11 : i32
        %add3A_200 = vector.broadcast %add3A_199 : i32 to vector<16xi32>
        %add3A_201 = arith.addi %mul3A_82, %add3A_200 : vector<16xi32>
        tpu.vector_store_idx %arg10[%shift_right_arithmetic3A_76, %add3A_201], %gather3A_198 : memref<16x320xf32, #tpu.memory_space<vmem>>[vector<16xi32>, vector<16xi32>], vector<16xf32>,
        %mul3A_202 = arith.constant 16 : i32
        %mul3A_203 = vector.broadcast %mul3A_202 : i32 to vector<16xi32>
        %mul3A_204 = arith.muli %and3A_67, %mul3A_203 : vector<16xi32>
        %add3A_205 = arith.constant 12 : i32
        %add3A_206 = vector.broadcast %add3A_205 : i32 to vector<16xi32>
        %add3A_207 = arith.addi %mul3A_204, %add3A_206 : vector<16xi32>
        %gather3A_208 = tpu.vector_load_idx %arg8[%add3A_71, %add3A_207] : memref<320x128xf32, #tpu.memory_space<vmem>>[vector<16xi32>, vector<16xi32>], vector<16xf32>,
        %add3A_209 = arith.constant 12 : i32
        %add3A_210 = vector.broadcast %add3A_209 : i32 to vector<16xi32>
        %add3A_211 = arith.addi %mul3A_82, %add3A_210 : vector<16xi32>
        tpu.vector_store_idx %arg10[%shift_right_arithmetic3A_76, %add3A_211], %gather3A_208 : memref<16x320xf32, #tpu.memory_space<vmem>>[vector<16xi32>, vector<16xi32>], vector<16xf32>,
        %mul3A_212 = arith.constant 16 : i32
        %mul3A_213 = vector.broadcast %mul3A_212 : i32 to vector<16xi32>
        %mul3A_214 = arith.muli %and3A_67, %mul3A_213 : vector<16xi32>
        %add3A_215 = arith.constant 13 : i32
        %add3A_216 = vector.broadcast %add3A_215 : i32 to vector<16xi32>
        %add3A_217 = arith.addi %mul3A_214, %add3A_216 : vector<16xi32>
        %gather3A_218 = tpu.vector_load_idx %arg8[%add3A_71, %add3A_217] : memref<320x128xf32, #tpu.memory_space<vmem>>[vector<16xi32>, vector<16xi32>], vector<16xf32>,
        %add3A_219 = arith.constant 13 : i32
        %add3A_220 = vector.broadcast %add3A_219 : i32 to vector<16xi32>
        %add3A_221 = arith.addi %mul3A_82, %add3A_220 : vector<16xi32>
        tpu.vector_store_idx %arg10[%shift_right_arithmetic3A_76, %add3A_221], %gather3A_218 : memref<16x320xf32, #tpu.memory_space<vmem>>[vector<16xi32>, vector<16xi32>], vector<16xf32>,
        %mul3A_222 = arith.constant 16 : i32
        %mul3A_223 = vector.broadcast %mul3A_222 : i32 to vector<16xi32>
        %mul3A_224 = arith.muli %and3A_67, %mul3A_223 : vector<16xi32>
        %add3A_225 = arith.constant 14 : i32
        %add3A_226 = vector.broadcast %add3A_225 : i32 to vector<16xi32>
        %add3A_227 = arith.addi %mul3A_224, %add3A_226 : vector<16xi32>
        %gather3A_228 = tpu.vector_load_idx %arg8[%add3A_71, %add3A_227] : memref<320x128xf32, #tpu.memory_space<vmem>>[vector<16xi32>, vector<16xi32>], vector<16xf32>,
        %add3A_229 = arith.constant 14 : i32
        %add3A_230 = vector.broadcast %add3A_229 : i32 to vector<16xi32>
        %add3A_231 = arith.addi %mul3A_82, %add3A_230 : vector<16xi32>
        tpu.vector_store_idx %arg10[%shift_right_arithmetic3A_76, %add3A_231], %gather3A_228 : memref<16x320xf32, #tpu.memory_space<vmem>>[vector<16xi32>, vector<16xi32>], vector<16xf32>,
        %mul3A_232 = arith.constant 16 : i32
        %mul3A_233 = vector.broadcast %mul3A_232 : i32 to vector<16xi32>
        %mul3A_234 = arith.muli %and3A_67, %mul3A_233 : vector<16xi32>
        %add3A_235 = arith.constant 15 : i32
        %add3A_236 = vector.broadcast %add3A_235 : i32 to vector<16xi32>
        %add3A_237 = arith.addi %mul3A_234, %add3A_236 : vector<16xi32>
        %gather3A_238 = tpu.vector_load_idx %arg8[%add3A_71, %add3A_237] : memref<320x128xf32, #tpu.memory_space<vmem>>[vector<16xi32>, vector<16xi32>], vector<16xf32>,
        %add3A_239 = arith.constant 15 : i32
        %add3A_240 = vector.broadcast %add3A_239 : i32 to vector<16xi32>
        %add3A_241 = arith.addi %mul3A_82, %add3A_240 : vector<16xi32>
        tpu.vector_store_idx %arg10[%shift_right_arithmetic3A_76, %add3A_241], %gather3A_238 : memref<16x320xf32, #tpu.memory_space<vmem>>[vector<16xi32>, vector<16xi32>], vector<16xf32>,
      }
      %scan3A_39 = arith.constant 20 : i32
      %mul3A_40 = arith.constant 16 : i32
      %mul3A_41 = arith.muli %mul3A_20, %mul3A_40 : i32
      %add3A_42 = arith.addi %mul3A_2, %mul3A_41 : i32
      "tpu.region"() ({
        %run_scoped3A = tpu.sem_alloc : memref<!tpu.dma_semaphore, #tpu.memory_space<semaphore_mem>>
        %dma_start3A_59 = arith.constant 0 : i32
        %dma_start3A_60 = tpu.memref_slice %arg4[%add3A_42, %dma_start3A_59] : memref<16384x320xf32, #tpu.memory_space<hbm>> -> memref<16x320xf32, #tpu.memory_space<hbm>>
        %dma_start3A_61 = arith.constant 0 : i32
        %dma_start3A_62 = tpu.memref_slice %arg4[%add3A_42, %dma_start3A_61] : memref<16384x320xf32, #tpu.memory_space<hbm>> -> memref<16x320xf32, #tpu.memory_space<hbm>>
        tpu.enqueue_dma source(%arg10 : memref<16x320xf32, #tpu.memory_space<vmem>>) target(%dma_start3A_62 : memref<16x320xf32, #tpu.memory_space<hbm>>) target_semaphore(%run_scoped3A : memref<!tpu.dma_semaphore, #tpu.memory_space<semaphore_mem>>)
        %dma_wait3A_63 = arith.constant 0 : i32
        %dma_wait3A_64 = tpu.memref_slice %arg4[%add3A_42, %dma_wait3A_63] : memref<16384x320xf32, #tpu.memory_space<hbm>> -> memref<16x320xf32, #tpu.memory_space<hbm>>
        %dma_wait3A_65 = arith.constant 0 : i32
        %dma_wait3A_66 = tpu.memref_slice %arg4[%add3A_42, %dma_wait3A_65] : memref<16384x320xf32, #tpu.memory_space<hbm>> -> memref<16x320xf32, #tpu.memory_space<hbm>>
        tpu.wait_dma2 semaphore(%run_scoped3A : memref<!tpu.dma_semaphore, #tpu.memory_space<semaphore_mem>>) src(%arg10 : memref<16x320xf32, #tpu.memory_space<vmem>>) dst(%dma_wait3A_66 : memref<16x320xf32, #tpu.memory_space<hbm>>)
        tpu.yield
      }) : () -> ()
      %lt3A = arith.constant 15 : i32
      %lt3A_43 = arith.cmpi slt, %scan3A_18, %lt3A : i32
      %convert_element_type3A = arith.extui %lt3A_43 : i1 to i32
      %cond3A = arith.constant 0 : i32
      %cond3A_44 = arith.cmpi ne, %convert_element_type3A, %cond3A : i32
      scf.if %cond3A_44 {
        %add3A_59 = arith.constant 2 : i32
        %add3A_60 = arith.addi %mul3A_20, %add3A_59 : i32
        %scan3A_61 = arith.constant 0 : i32
        %scan3A_62 = arith.constant 0 : i32
        %scan3A_63 = arith.constant 20 : i32
        %scan3A_64 = arith.addi %scan3A_62, %scan3A_63 : i32
        %scan3A_65 = arith.constant 1 : i32
        scf.for %scan3A_70 = %scan3A_62 to %scan3A_64 step %scan3A_65  : i32 {
          %mul3A_71 = arith.constant 320 : i32
          %mul3A_72 = arith.muli %add3A_60, %mul3A_71 : i32
          %mul3A_73 = arith.constant 16 : i32
          %mul3A_74 = arith.muli %scan3A_70, %mul3A_73 : i32
          %add3A_75 = arith.addi %mul3A_72, %mul3A_74 : i32
          %get3A = arith.index_cast %add3A_75 : i32 to index
          %get3A_76 = tpu.vector_load %arg5[%get3A] {strides = array<i32>} : memref<10240xi32, #tpu.memory_space<vmem>>, vector<16xi32>,
          %shift_right_arithmetic3A = arith.constant 3 : i32
          %shift_right_arithmetic3A_77 = vector.broadcast %shift_right_arithmetic3A : i32 to vector<16xi32>
          %shift_right_arithmetic3A_78 = arith.shrsi %get3A_76, %shift_right_arithmetic3A_77 : vector<16xi32>
          %mul3A_79 = arith.constant 16 : i32
          %mul3A_80 = arith.muli %scan3A_70, %mul3A_79 : i32
          %swap3A = arith.index_cast %mul3A_80 : i32 to index
          %swap3A_81 = tpu.vector_load %arg6[%swap3A] {strides = array<i32>} : memref<320xi32, #tpu.memory_space<vmem>>, vector<16xi32>,
          tpu.vector_store %arg6[%swap3A], %shift_right_arithmetic3A_78 {strides = array<i32>} : memref<320xi32, #tpu.memory_space<vmem>>, vector<16xi32>,
        }
        %scan3A_66 = arith.constant 20 : i32
        %dma_start3A_67 = arith.constant 0 : i32
        %dma_start3A_68 = arith.constant 0 : i32
        %dma_start3A_69 = tpu.memref_slice %arg2[%dma_start3A_67, %dma_start3A_68] : memref<524288x128xf32, #tpu.memory_space<hbm>> -> memref<524288x128xf32, #tpu.memory_space<hbm>>
        tpu.enqueue_indirect_dma source(%dma_start3A_69 : memref<524288x128xf32, #tpu.memory_space<hbm>>) target(%arg8 : memref<320x128xf32, #tpu.memory_space<vmem>>) offsets(%arg6 : memref<320xi32, #tpu.memory_space<vmem>>) semaphore(%arg11 : memref<!tpu.dma_semaphore, #tpu.memory_space<semaphore_mem>>)
      } else {
      }
      %dma_wait3A_45 = arith.constant 0 : i32
      %dma_wait3A_46 = arith.constant 0 : i32
      %dma_wait3A_47 = tpu.memref_slice %arg2[%dma_wait3A_45, %dma_wait3A_46] : memref<524288x128xf32, #tpu.memory_space<hbm>> -> memref<524288x128xf32, #tpu.memory_space<hbm>>
      tpu.wait_indirect_dma semaphore(%arg12 : memref<!tpu.dma_semaphore, #tpu.memory_space<semaphore_mem>>) src(%dma_wait3A_47 : memref<524288x128xf32, #tpu.memory_space<hbm>>) dst(%arg9 : memref<320x128xf32, #tpu.memory_space<vmem>>)
      %add3A_48 = arith.constant 1 : i32
      %add3A_49 = arith.addi %mul3A_20, %add3A_48 : i32
      %scan3A_50 = arith.constant 0 : i32
      %scan3A_51 = arith.constant 0 : i32
      %scan3A_52 = arith.constant 20 : i32
      %scan3A_53 = arith.addi %scan3A_51, %scan3A_52 : i32
      %scan3A_54 = arith.constant 1 : i32
      scf.for %scan3A_59 = %scan3A_51 to %scan3A_53 step %scan3A_54  : i32 {
        %mul3A_60 = arith.constant 320 : i32
        %mul3A_61 = arith.muli %add3A_49, %mul3A_60 : i32
        %mul3A_62 = arith.constant 16 : i32
        %mul3A_63 = arith.muli %scan3A_59, %mul3A_62 : i32
        %add3A_64 = arith.addi %mul3A_61, %mul3A_63 : i32
        %get3A = arith.index_cast %add3A_64 : i32 to index
        %get3A_65 = tpu.vector_load %arg5[%get3A] {strides = array<i32>} : memref<10240xi32, #tpu.memory_space<vmem>>, vector<16xi32>,
        %and3A = arith.constant 7 : i32
        %and3A_66 = vector.broadcast %and3A : i32 to vector<16xi32>
        %and3A_67 = arith.andi %get3A_65, %and3A_66 : vector<16xi32>
        %mul3A_68 = arith.constant 16 : i32
        %mul3A_69 = arith.muli %scan3A_59, %mul3A_68 : i32
        %add3A_70 = vector.broadcast %mul3A_69 : i32 to vector<16xi32>
        %add3A_71 = arith.addi %add3A_70, %iota3A : vector<16xi32>
        %mul3A_72 = arith.constant 52429 : i32
        %mul3A_73 = vector.broadcast %mul3A_72 : i32 to vector<16xi32>
        %mul3A_74 = arith.muli %add3A_71, %mul3A_73 : vector<16xi32>
        %shift_right_arithmetic3A = arith.constant 20 : i32
        %shift_right_arithmetic3A_75 = vector.broadcast %shift_right_arithmetic3A : i32 to vector<16xi32>
        %shift_right_arithmetic3A_76 = arith.shrsi %mul3A_74, %shift_right_arithmetic3A_75 : vector<16xi32>
        %mul3A_77 = arith.constant 20 : i32
        %mul3A_78 = vector.broadcast %mul3A_77 : i32 to vector<16xi32>
        %mul3A_79 = arith.muli %shift_right_arithmetic3A_76, %mul3A_78 : vector<16xi32>
        %sub3A = arith.subi %add3A_71, %mul3A_79 : vector<16xi32>
        %mul3A_80 = arith.constant 16 : i32
        %mul3A_81 = vector.broadcast %mul3A_80 : i32 to vector<16xi32>
        %mul3A_82 = arith.muli %sub3A, %mul3A_81 : vector<16xi32>
        %mul3A_83 = arith.constant 16 : i32
        %mul3A_84 = vector.broadcast %mul3A_83 : i32 to vector<16xi32>
        %mul3A_85 = arith.muli %and3A_67, %mul3A_84 : vector<16xi32>
        %add3A_86 = arith.constant 0 : i32
        %add3A_87 = vector.broadcast %add3A_86 : i32 to vector<16xi32>
        %add3A_88 = arith.addi %mul3A_85, %add3A_87 : vector<16xi32>
        %gather3A = tpu.vector_load_idx %arg9[%add3A_71, %add3A_88] : memref<320x128xf32, #tpu.memory_space<vmem>>[vector<16xi32>, vector<16xi32>], vector<16xf32>,
        %add3A_89 = arith.constant 0 : i32
        %add3A_90 = vector.broadcast %add3A_89 : i32 to vector<16xi32>
        %add3A_91 = arith.addi %mul3A_82, %add3A_90 : vector<16xi32>
        tpu.vector_store_idx %arg10[%shift_right_arithmetic3A_76, %add3A_91], %gather3A : memref<16x320xf32, #tpu.memory_space<vmem>>[vector<16xi32>, vector<16xi32>], vector<16xf32>,
        %mul3A_92 = arith.constant 16 : i32
        %mul3A_93 = vector.broadcast %mul3A_92 : i32 to vector<16xi32>
        %mul3A_94 = arith.muli %and3A_67, %mul3A_93 : vector<16xi32>
        %add3A_95 = arith.constant 1 : i32
        %add3A_96 = vector.broadcast %add3A_95 : i32 to vector<16xi32>
        %add3A_97 = arith.addi %mul3A_94, %add3A_96 : vector<16xi32>
        %gather3A_98 = tpu.vector_load_idx %arg9[%add3A_71, %add3A_97] : memref<320x128xf32, #tpu.memory_space<vmem>>[vector<16xi32>, vector<16xi32>], vector<16xf32>,
        %add3A_99 = arith.constant 1 : i32
        %add3A_100 = vector.broadcast %add3A_99 : i32 to vector<16xi32>
        %add3A_101 = arith.addi %mul3A_82, %add3A_100 : vector<16xi32>
        tpu.vector_store_idx %arg10[%shift_right_arithmetic3A_76, %add3A_101], %gather3A_98 : memref<16x320xf32, #tpu.memory_space<vmem>>[vector<16xi32>, vector<16xi32>], vector<16xf32>,
        %mul3A_102 = arith.constant 16 : i32
        %mul3A_103 = vector.broadcast %mul3A_102 : i32 to vector<16xi32>
        %mul3A_104 = arith.muli %and3A_67, %mul3A_103 : vector<16xi32>
        %add3A_105 = arith.constant 2 : i32
        %add3A_106 = vector.broadcast %add3A_105 : i32 to vector<16xi32>
        %add3A_107 = arith.addi %mul3A_104, %add3A_106 : vector<16xi32>
        %gather3A_108 = tpu.vector_load_idx %arg9[%add3A_71, %add3A_107] : memref<320x128xf32, #tpu.memory_space<vmem>>[vector<16xi32>, vector<16xi32>], vector<16xf32>,
        %add3A_109 = arith.constant 2 : i32
        %add3A_110 = vector.broadcast %add3A_109 : i32 to vector<16xi32>
        %add3A_111 = arith.addi %mul3A_82, %add3A_110 : vector<16xi32>
        tpu.vector_store_idx %arg10[%shift_right_arithmetic3A_76, %add3A_111], %gather3A_108 : memref<16x320xf32, #tpu.memory_space<vmem>>[vector<16xi32>, vector<16xi32>], vector<16xf32>,
        %mul3A_112 = arith.constant 16 : i32
        %mul3A_113 = vector.broadcast %mul3A_112 : i32 to vector<16xi32>
        %mul3A_114 = arith.muli %and3A_67, %mul3A_113 : vector<16xi32>
        %add3A_115 = arith.constant 3 : i32
        %add3A_116 = vector.broadcast %add3A_115 : i32 to vector<16xi32>
        %add3A_117 = arith.addi %mul3A_114, %add3A_116 : vector<16xi32>
        %gather3A_118 = tpu.vector_load_idx %arg9[%add3A_71, %add3A_117] : memref<320x128xf32, #tpu.memory_space<vmem>>[vector<16xi32>, vector<16xi32>], vector<16xf32>,
        %add3A_119 = arith.constant 3 : i32
        %add3A_120 = vector.broadcast %add3A_119 : i32 to vector<16xi32>
        %add3A_121 = arith.addi %mul3A_82, %add3A_120 : vector<16xi32>
        tpu.vector_store_idx %arg10[%shift_right_arithmetic3A_76, %add3A_121], %gather3A_118 : memref<16x320xf32, #tpu.memory_space<vmem>>[vector<16xi32>, vector<16xi32>], vector<16xf32>,
        %mul3A_122 = arith.constant 16 : i32
        %mul3A_123 = vector.broadcast %mul3A_122 : i32 to vector<16xi32>
        %mul3A_124 = arith.muli %and3A_67, %mul3A_123 : vector<16xi32>
        %add3A_125 = arith.constant 4 : i32
        %add3A_126 = vector.broadcast %add3A_125 : i32 to vector<16xi32>
        %add3A_127 = arith.addi %mul3A_124, %add3A_126 : vector<16xi32>
        %gather3A_128 = tpu.vector_load_idx %arg9[%add3A_71, %add3A_127] : memref<320x128xf32, #tpu.memory_space<vmem>>[vector<16xi32>, vector<16xi32>], vector<16xf32>,
        %add3A_129 = arith.constant 4 : i32
        %add3A_130 = vector.broadcast %add3A_129 : i32 to vector<16xi32>
        %add3A_131 = arith.addi %mul3A_82, %add3A_130 : vector<16xi32>
        tpu.vector_store_idx %arg10[%shift_right_arithmetic3A_76, %add3A_131], %gather3A_128 : memref<16x320xf32, #tpu.memory_space<vmem>>[vector<16xi32>, vector<16xi32>], vector<16xf32>,
        %mul3A_132 = arith.constant 16 : i32
        %mul3A_133 = vector.broadcast %mul3A_132 : i32 to vector<16xi32>
        %mul3A_134 = arith.muli %and3A_67, %mul3A_133 : vector<16xi32>
        %add3A_135 = arith.constant 5 : i32
        %add3A_136 = vector.broadcast %add3A_135 : i32 to vector<16xi32>
        %add3A_137 = arith.addi %mul3A_134, %add3A_136 : vector<16xi32>
        %gather3A_138 = tpu.vector_load_idx %arg9[%add3A_71, %add3A_137] : memref<320x128xf32, #tpu.memory_space<vmem>>[vector<16xi32>, vector<16xi32>], vector<16xf32>,
        %add3A_139 = arith.constant 5 : i32
        %add3A_140 = vector.broadcast %add3A_139 : i32 to vector<16xi32>
        %add3A_141 = arith.addi %mul3A_82, %add3A_140 : vector<16xi32>
        tpu.vector_store_idx %arg10[%shift_right_arithmetic3A_76, %add3A_141], %gather3A_138 : memref<16x320xf32, #tpu.memory_space<vmem>>[vector<16xi32>, vector<16xi32>], vector<16xf32>,
        %mul3A_142 = arith.constant 16 : i32
        %mul3A_143 = vector.broadcast %mul3A_142 : i32 to vector<16xi32>
        %mul3A_144 = arith.muli %and3A_67, %mul3A_143 : vector<16xi32>
        %add3A_145 = arith.constant 6 : i32
        %add3A_146 = vector.broadcast %add3A_145 : i32 to vector<16xi32>
        %add3A_147 = arith.addi %mul3A_144, %add3A_146 : vector<16xi32>
        %gather3A_148 = tpu.vector_load_idx %arg9[%add3A_71, %add3A_147] : memref<320x128xf32, #tpu.memory_space<vmem>>[vector<16xi32>, vector<16xi32>], vector<16xf32>,
        %add3A_149 = arith.constant 6 : i32
        %add3A_150 = vector.broadcast %add3A_149 : i32 to vector<16xi32>
        %add3A_151 = arith.addi %mul3A_82, %add3A_150 : vector<16xi32>
        tpu.vector_store_idx %arg10[%shift_right_arithmetic3A_76, %add3A_151], %gather3A_148 : memref<16x320xf32, #tpu.memory_space<vmem>>[vector<16xi32>, vector<16xi32>], vector<16xf32>,
        %mul3A_152 = arith.constant 16 : i32
        %mul3A_153 = vector.broadcast %mul3A_152 : i32 to vector<16xi32>
        %mul3A_154 = arith.muli %and3A_67, %mul3A_153 : vector<16xi32>
        %add3A_155 = arith.constant 7 : i32
        %add3A_156 = vector.broadcast %add3A_155 : i32 to vector<16xi32>
        %add3A_157 = arith.addi %mul3A_154, %add3A_156 : vector<16xi32>
        %gather3A_158 = tpu.vector_load_idx %arg9[%add3A_71, %add3A_157] : memref<320x128xf32, #tpu.memory_space<vmem>>[vector<16xi32>, vector<16xi32>], vector<16xf32>,
        %add3A_159 = arith.constant 7 : i32
        %add3A_160 = vector.broadcast %add3A_159 : i32 to vector<16xi32>
        %add3A_161 = arith.addi %mul3A_82, %add3A_160 : vector<16xi32>
        tpu.vector_store_idx %arg10[%shift_right_arithmetic3A_76, %add3A_161], %gather3A_158 : memref<16x320xf32, #tpu.memory_space<vmem>>[vector<16xi32>, vector<16xi32>], vector<16xf32>,
        %mul3A_162 = arith.constant 16 : i32
        %mul3A_163 = vector.broadcast %mul3A_162 : i32 to vector<16xi32>
        %mul3A_164 = arith.muli %and3A_67, %mul3A_163 : vector<16xi32>
        %add3A_165 = arith.constant 8 : i32
        %add3A_166 = vector.broadcast %add3A_165 : i32 to vector<16xi32>
        %add3A_167 = arith.addi %mul3A_164, %add3A_166 : vector<16xi32>
        %gather3A_168 = tpu.vector_load_idx %arg9[%add3A_71, %add3A_167] : memref<320x128xf32, #tpu.memory_space<vmem>>[vector<16xi32>, vector<16xi32>], vector<16xf32>,
        %add3A_169 = arith.constant 8 : i32
        %add3A_170 = vector.broadcast %add3A_169 : i32 to vector<16xi32>
        %add3A_171 = arith.addi %mul3A_82, %add3A_170 : vector<16xi32>
        tpu.vector_store_idx %arg10[%shift_right_arithmetic3A_76, %add3A_171], %gather3A_168 : memref<16x320xf32, #tpu.memory_space<vmem>>[vector<16xi32>, vector<16xi32>], vector<16xf32>,
        %mul3A_172 = arith.constant 16 : i32
        %mul3A_173 = vector.broadcast %mul3A_172 : i32 to vector<16xi32>
        %mul3A_174 = arith.muli %and3A_67, %mul3A_173 : vector<16xi32>
        %add3A_175 = arith.constant 9 : i32
        %add3A_176 = vector.broadcast %add3A_175 : i32 to vector<16xi32>
        %add3A_177 = arith.addi %mul3A_174, %add3A_176 : vector<16xi32>
        %gather3A_178 = tpu.vector_load_idx %arg9[%add3A_71, %add3A_177] : memref<320x128xf32, #tpu.memory_space<vmem>>[vector<16xi32>, vector<16xi32>], vector<16xf32>,
        %add3A_179 = arith.constant 9 : i32
        %add3A_180 = vector.broadcast %add3A_179 : i32 to vector<16xi32>
        %add3A_181 = arith.addi %mul3A_82, %add3A_180 : vector<16xi32>
        tpu.vector_store_idx %arg10[%shift_right_arithmetic3A_76, %add3A_181], %gather3A_178 : memref<16x320xf32, #tpu.memory_space<vmem>>[vector<16xi32>, vector<16xi32>], vector<16xf32>,
        %mul3A_182 = arith.constant 16 : i32
        %mul3A_183 = vector.broadcast %mul3A_182 : i32 to vector<16xi32>
        %mul3A_184 = arith.muli %and3A_67, %mul3A_183 : vector<16xi32>
        %add3A_185 = arith.constant 10 : i32
        %add3A_186 = vector.broadcast %add3A_185 : i32 to vector<16xi32>
        %add3A_187 = arith.addi %mul3A_184, %add3A_186 : vector<16xi32>
        %gather3A_188 = tpu.vector_load_idx %arg9[%add3A_71, %add3A_187] : memref<320x128xf32, #tpu.memory_space<vmem>>[vector<16xi32>, vector<16xi32>], vector<16xf32>,
        %add3A_189 = arith.constant 10 : i32
        %add3A_190 = vector.broadcast %add3A_189 : i32 to vector<16xi32>
        %add3A_191 = arith.addi %mul3A_82, %add3A_190 : vector<16xi32>
        tpu.vector_store_idx %arg10[%shift_right_arithmetic3A_76, %add3A_191], %gather3A_188 : memref<16x320xf32, #tpu.memory_space<vmem>>[vector<16xi32>, vector<16xi32>], vector<16xf32>,
        %mul3A_192 = arith.constant 16 : i32
        %mul3A_193 = vector.broadcast %mul3A_192 : i32 to vector<16xi32>
        %mul3A_194 = arith.muli %and3A_67, %mul3A_193 : vector<16xi32>
        %add3A_195 = arith.constant 11 : i32
        %add3A_196 = vector.broadcast %add3A_195 : i32 to vector<16xi32>
        %add3A_197 = arith.addi %mul3A_194, %add3A_196 : vector<16xi32>
        %gather3A_198 = tpu.vector_load_idx %arg9[%add3A_71, %add3A_197] : memref<320x128xf32, #tpu.memory_space<vmem>>[vector<16xi32>, vector<16xi32>], vector<16xf32>,
        %add3A_199 = arith.constant 11 : i32
        %add3A_200 = vector.broadcast %add3A_199 : i32 to vector<16xi32>
        %add3A_201 = arith.addi %mul3A_82, %add3A_200 : vector<16xi32>
        tpu.vector_store_idx %arg10[%shift_right_arithmetic3A_76, %add3A_201], %gather3A_198 : memref<16x320xf32, #tpu.memory_space<vmem>>[vector<16xi32>, vector<16xi32>], vector<16xf32>,
        %mul3A_202 = arith.constant 16 : i32
        %mul3A_203 = vector.broadcast %mul3A_202 : i32 to vector<16xi32>
        %mul3A_204 = arith.muli %and3A_67, %mul3A_203 : vector<16xi32>
        %add3A_205 = arith.constant 12 : i32
        %add3A_206 = vector.broadcast %add3A_205 : i32 to vector<16xi32>
        %add3A_207 = arith.addi %mul3A_204, %add3A_206 : vector<16xi32>
        %gather3A_208 = tpu.vector_load_idx %arg9[%add3A_71, %add3A_207] : memref<320x128xf32, #tpu.memory_space<vmem>>[vector<16xi32>, vector<16xi32>], vector<16xf32>,
        %add3A_209 = arith.constant 12 : i32
        %add3A_210 = vector.broadcast %add3A_209 : i32 to vector<16xi32>
        %add3A_211 = arith.addi %mul3A_82, %add3A_210 : vector<16xi32>
        tpu.vector_store_idx %arg10[%shift_right_arithmetic3A_76, %add3A_211], %gather3A_208 : memref<16x320xf32, #tpu.memory_space<vmem>>[vector<16xi32>, vector<16xi32>], vector<16xf32>,
        %mul3A_212 = arith.constant 16 : i32
        %mul3A_213 = vector.broadcast %mul3A_212 : i32 to vector<16xi32>
        %mul3A_214 = arith.muli %and3A_67, %mul3A_213 : vector<16xi32>
        %add3A_215 = arith.constant 13 : i32
        %add3A_216 = vector.broadcast %add3A_215 : i32 to vector<16xi32>
        %add3A_217 = arith.addi %mul3A_214, %add3A_216 : vector<16xi32>
        %gather3A_218 = tpu.vector_load_idx %arg9[%add3A_71, %add3A_217] : memref<320x128xf32, #tpu.memory_space<vmem>>[vector<16xi32>, vector<16xi32>], vector<16xf32>,
        %add3A_219 = arith.constant 13 : i32
        %add3A_220 = vector.broadcast %add3A_219 : i32 to vector<16xi32>
        %add3A_221 = arith.addi %mul3A_82, %add3A_220 : vector<16xi32>
        tpu.vector_store_idx %arg10[%shift_right_arithmetic3A_76, %add3A_221], %gather3A_218 : memref<16x320xf32, #tpu.memory_space<vmem>>[vector<16xi32>, vector<16xi32>], vector<16xf32>,
        %mul3A_222 = arith.constant 16 : i32
        %mul3A_223 = vector.broadcast %mul3A_222 : i32 to vector<16xi32>
        %mul3A_224 = arith.muli %and3A_67, %mul3A_223 : vector<16xi32>
        %add3A_225 = arith.constant 14 : i32
        %add3A_226 = vector.broadcast %add3A_225 : i32 to vector<16xi32>
        %add3A_227 = arith.addi %mul3A_224, %add3A_226 : vector<16xi32>
        %gather3A_228 = tpu.vector_load_idx %arg9[%add3A_71, %add3A_227] : memref<320x128xf32, #tpu.memory_space<vmem>>[vector<16xi32>, vector<16xi32>], vector<16xf32>,
        %add3A_229 = arith.constant 14 : i32
        %add3A_230 = vector.broadcast %add3A_229 : i32 to vector<16xi32>
        %add3A_231 = arith.addi %mul3A_82, %add3A_230 : vector<16xi32>
        tpu.vector_store_idx %arg10[%shift_right_arithmetic3A_76, %add3A_231], %gather3A_228 : memref<16x320xf32, #tpu.memory_space<vmem>>[vector<16xi32>, vector<16xi32>], vector<16xf32>,
        %mul3A_232 = arith.constant 16 : i32
        %mul3A_233 = vector.broadcast %mul3A_232 : i32 to vector<16xi32>
        %mul3A_234 = arith.muli %and3A_67, %mul3A_233 : vector<16xi32>
        %add3A_235 = arith.constant 15 : i32
        %add3A_236 = vector.broadcast %add3A_235 : i32 to vector<16xi32>
        %add3A_237 = arith.addi %mul3A_234, %add3A_236 : vector<16xi32>
        %gather3A_238 = tpu.vector_load_idx %arg9[%add3A_71, %add3A_237] : memref<320x128xf32, #tpu.memory_space<vmem>>[vector<16xi32>, vector<16xi32>], vector<16xf32>,
        %add3A_239 = arith.constant 15 : i32
        %add3A_240 = vector.broadcast %add3A_239 : i32 to vector<16xi32>
        %add3A_241 = arith.addi %mul3A_82, %add3A_240 : vector<16xi32>
        tpu.vector_store_idx %arg10[%shift_right_arithmetic3A_76, %add3A_241], %gather3A_238 : memref<16x320xf32, #tpu.memory_space<vmem>>[vector<16xi32>, vector<16xi32>], vector<16xf32>,
      }
      %scan3A_55 = arith.constant 20 : i32
      %mul3A_56 = arith.constant 16 : i32
      %mul3A_57 = arith.muli %add3A_49, %mul3A_56 : i32
      %add3A_58 = arith.addi %mul3A_2, %mul3A_57 : i32
      "tpu.region"() ({
        %run_scoped3A = tpu.sem_alloc : memref<!tpu.dma_semaphore, #tpu.memory_space<semaphore_mem>>
        %dma_start3A_59 = arith.constant 0 : i32
        %dma_start3A_60 = tpu.memref_slice %arg4[%add3A_58, %dma_start3A_59] : memref<16384x320xf32, #tpu.memory_space<hbm>> -> memref<16x320xf32, #tpu.memory_space<hbm>>
        %dma_start3A_61 = arith.constant 0 : i32
        %dma_start3A_62 = tpu.memref_slice %arg4[%add3A_58, %dma_start3A_61] : memref<16384x320xf32, #tpu.memory_space<hbm>> -> memref<16x320xf32, #tpu.memory_space<hbm>>
        tpu.enqueue_dma source(%arg10 : memref<16x320xf32, #tpu.memory_space<vmem>>) target(%dma_start3A_62 : memref<16x320xf32, #tpu.memory_space<hbm>>) target_semaphore(%run_scoped3A : memref<!tpu.dma_semaphore, #tpu.memory_space<semaphore_mem>>)
        %dma_wait3A_63 = arith.constant 0 : i32
        %dma_wait3A_64 = tpu.memref_slice %arg4[%add3A_58, %dma_wait3A_63] : memref<16384x320xf32, #tpu.memory_space<hbm>> -> memref<16x320xf32, #tpu.memory_space<hbm>>
        %dma_wait3A_65 = arith.constant 0 : i32
        %dma_wait3A_66 = tpu.memref_slice %arg4[%add3A_58, %dma_wait3A_65] : memref<16384x320xf32, #tpu.memory_space<hbm>> -> memref<16x320xf32, #tpu.memory_space<hbm>>
        tpu.wait_dma2 semaphore(%run_scoped3A : memref<!tpu.dma_semaphore, #tpu.memory_space<semaphore_mem>>) src(%arg10 : memref<16x320xf32, #tpu.memory_space<vmem>>) dst(%dma_wait3A_66 : memref<16x320xf32, #tpu.memory_space<hbm>>)
        tpu.yield
      }) : () -> ()
    }
    %scan3A_17 = arith.constant 16 : i32
    return
  }
}

module attributes {stable_mosaic.version = 14 : i64} {
  func.func @_stage1_kernel(%arg0: i32, %arg1: memref<1x4096x256xf32, #tpu.memory_space<vmem>>, %arg2: memref<1x4096x1xi32, #tpu.memory_space<vmem>>, %arg3: memref<1x1x256xf32, #tpu.memory_space<vmem>>, %arg4: memref<1x1x256xf32, #tpu.memory_space<vmem>>, %arg5: memref<8192x128xf32, #tpu.memory_space<vmem>>, %arg6: memref<1x20x256xi32, #tpu.memory_space<vmem>>, %arg7: memref<1x1x256xf32, #tpu.memory_space<vmem>>) attributes {dimension_semantics = [#tpu.dimension_semantics<arbitrary>], iteration_bounds = array<i64: 64>, scalar_prefetch = 0 : i64, scratch_operands = 0 : i64, tpu.core_type = #tpu.core_type<tc>, window_params = [{transform_indices = @transform_0, window_bounds = array<i64: 1, 4096, 256>}, {transform_indices = @transform_1, window_bounds = array<i64: 1, 4096, 1>}, {transform_indices = @transform_2, window_bounds = array<i64: 1, 1, 256>}, {transform_indices = @transform_3, window_bounds = array<i64: 1, 1, 256>}, {transform_indices = @transform_4, window_bounds = array<i64: 8192, 128>}, {transform_indices = @transform_5, window_bounds = array<i64: 1, 20, 256>}, {transform_indices = @transform_6, window_bounds = array<i64: 1, 1, 256>}]} {
    %get3A = arith.constant 0 : index
    %get3A_0 = arith.constant 0 : index
    %get3A_1 = arith.constant 0 : index
    %get3A_2 = vector.load %arg1[%get3A, %get3A_0, %get3A_1] : memref<1x4096x256xf32, #tpu.memory_space<vmem>>, vector<1x4096x256xf32>
    %get3A_3 = vector.shape_cast %get3A_2 : vector<1x4096x256xf32> to vector<4096x256xf32>
    %get3A_4 = arith.constant 0 : index
    %get3A_5 = arith.constant 0 : index
    %get3A_6 = arith.constant 0 : index
    %get3A_7 = vector.load %arg2[%get3A_4, %get3A_5, %get3A_6] : memref<1x4096x1xi32, #tpu.memory_space<vmem>>, vector<1x4096x1xi32>
    %get3A_8 = vector.shape_cast %get3A_7 : vector<1x4096x1xi32> to vector<4096x1xi32>
    %ne3A = arith.constant 0 : i32
    %ne3A_9 = vector.broadcast %ne3A : i32 to vector<4096x1xi32>
    %ne3A_10 = arith.cmpi ne, %get3A_8, %ne3A_9 : vector<4096x1xi32>
    %jit3A = arith.constant 0xFF800000 : f32
    %broadcast_in_dim3A = vector.shape_cast %ne3A_10 : vector<4096x1xi1> to vector<4096x1xi1>
    %broadcast_in_dim3A_11 = vector.broadcast %broadcast_in_dim3A : vector<4096x1xi1> to vector<4096x256xi1>
    %broadcast_in_dim3A_12 = vector.broadcast %jit3A : f32 to vector<4096x256xf32>
    %select_n3A = arith.select %broadcast_in_dim3A_11, %get3A_3, %broadcast_in_dim3A_12 : vector<4096x256xi1>, vector<4096x256xf32>
    %jit3A_13 = arith.constant 0.000000e+00 : f32
    %broadcast_in_dim3A_14 = vector.shape_cast %ne3A_10 : vector<4096x1xi1> to vector<4096x1xi1>
    %broadcast_in_dim3A_15 = vector.broadcast %broadcast_in_dim3A_14 : vector<4096x1xi1> to vector<4096x256xi1>
    %broadcast_in_dim3A_16 = vector.broadcast %jit3A_13 : f32 to vector<4096x256xf32>
    %select_n3A_17 = arith.select %broadcast_in_dim3A_15, %get3A_3, %broadcast_in_dim3A_16 : vector<4096x256xi1>, vector<4096x256xf32>
    %reduce_sum3A = arith.constant dense<0.000000e+00> : vector<256xf32>
    %reduce_sum3A_18 = vector.multi_reduction <add>, %select_n3A_17, %reduce_sum3A [0] : vector<4096x256xf32> to vector<256xf32>
    %broadcast_in_dim3A_19 = vector.shape_cast %reduce_sum3A_18 : vector<256xf32> to vector<1x256xf32>
    %convert_element_type3A = arith.extui %ne3A_10 : vector<4096x1xi1> to vector<4096x1xi32>
    %convert_element_type3A_20 = arith.sitofp %convert_element_type3A : vector<4096x1xi32> to vector<4096x1xf32>
    %reduce_sum3A_21 = vector.shape_cast %convert_element_type3A_20 : vector<4096x1xf32> to vector<1x4096x1xf32>
    %reduce_sum3A_22 = arith.constant dense<0.000000e+00> : vector<1xf32>
    %reduce_sum3A_23 = vector.multi_reduction <add>, %reduce_sum3A_21, %reduce_sum3A_22 [1, 2] : vector<1x4096x1xf32> to vector<1xf32>
    %reduce_sum3A_24 = vector.shape_cast %reduce_sum3A_23 : vector<1xf32> to vector<1x1x1xf32>
    %reduce_sum3A_25 = vector.extract %reduce_sum3A_24[0, 0, 0] : f32 from vector<1x1x1xf32>
    %max3A = arith.constant 1.000000e+00 : f32
    %max3A_26 = arith.maximumf %reduce_sum3A_25, %max3A : f32
    %div3A = vector.broadcast %max3A_26 : f32 to vector<1x256xf32>
    %div3A_27 = arith.divf %broadcast_in_dim3A_19, %div3A : vector<1x256xf32>
    %swap3A = arith.constant 0 : index
    %swap3A_28 = arith.constant 0 : index
    %swap3A_29 = arith.constant 0 : index
    %swap3A_30 = vector.load %arg4[%swap3A, %swap3A_28, %swap3A_29] : memref<1x1x256xf32, #tpu.memory_space<vmem>>, vector<1x1x256xf32>
    %swap3A_31 = vector.shape_cast %swap3A_30 : vector<1x1x256xf32> to vector<1x256xf32>
    %swap3A_32 = vector.shape_cast %div3A_27 : vector<1x256xf32> to vector<1x1x256xf32>
    tpu.vector_store %arg4[%swap3A, %swap3A_28, %swap3A_29], %swap3A_32 {strides = array<i32>} : memref<1x1x256xf32, #tpu.memory_space<vmem>>, vector<1x1x256xf32>,
    %reduce_max3A = arith.constant dense<0xFF800000> : vector<256xf32>
    %reduce_max3A_33 = vector.multi_reduction <maximumf>, %select_n3A, %reduce_max3A [0] : vector<4096x256xf32> to vector<256xf32>
    %broadcast_in_dim3A_34 = vector.shape_cast %reduce_max3A_33 : vector<256xf32> to vector<1x256xf32>
    %eq3A = arith.constant 0xFF800000 : f32
    %eq3A_35 = vector.broadcast %eq3A : f32 to vector<1x256xf32>
    %eq3A_36 = arith.cmpf oeq, %broadcast_in_dim3A_34, %eq3A_35 : vector<1x256xf32>
    %jit3A_37 = arith.constant 0.000000e+00 : f32
    %broadcast_in_dim3A_38 = vector.broadcast %jit3A_37 : f32 to vector<1x256xf32>
    %select_n3A_39 = arith.select %eq3A_36, %broadcast_in_dim3A_38, %broadcast_in_dim3A_34 : vector<1x256xi1>, vector<1x256xf32>
    %swap3A_40 = arith.constant 0 : index
    %swap3A_41 = arith.constant 0 : index
    %swap3A_42 = arith.constant 0 : index
    %swap3A_43 = vector.load %arg3[%swap3A_40, %swap3A_41, %swap3A_42] : memref<1x1x256xf32, #tpu.memory_space<vmem>>, vector<1x1x256xf32>
    %swap3A_44 = vector.shape_cast %swap3A_43 : vector<1x1x256xf32> to vector<1x256xf32>
    %swap3A_45 = vector.shape_cast %select_n3A_39 : vector<1x256xf32> to vector<1x1x256xf32>
    tpu.vector_store %arg3[%swap3A_40, %swap3A_41, %swap3A_42], %swap3A_45 {strides = array<i32>} : memref<1x1x256xf32, #tpu.memory_space<vmem>>, vector<1x1x256xf32>,
    %slice3A = vector.extract_strided_slice %select_n3A {offsets = [0, 0], sizes = [128, 256], strides = [1, 1]} : vector<4096x256xf32> to vector<128x256xf32>
    %transpose3A = tpu.transpose %slice3A, [1, 0] : vector<128x256xf32> -> vector<256x128xf32>
    %swap3A_46 = arith.constant 0 : index
    %swap3A_47 = arith.constant 0 : index
    %swap3A_48 = vector.load %arg5[%swap3A_46, %swap3A_47] : memref<8192x128xf32, #tpu.memory_space<vmem>>, vector<256x128xf32>
    tpu.vector_store %arg5[%swap3A_46, %swap3A_47], %transpose3A {strides = array<i32>} : memref<8192x128xf32, #tpu.memory_space<vmem>>, vector<256x128xf32>,
    %slice3A_49 = vector.extract_strided_slice %select_n3A {offsets = [128, 0], sizes = [128, 256], strides = [1, 1]} : vector<4096x256xf32> to vector<128x256xf32>
    %transpose3A_50 = tpu.transpose %slice3A_49, [1, 0] : vector<128x256xf32> -> vector<256x128xf32>
    %swap3A_51 = arith.constant 256 : index
    %swap3A_52 = arith.constant 0 : index
    %swap3A_53 = vector.load %arg5[%swap3A_51, %swap3A_52] : memref<8192x128xf32, #tpu.memory_space<vmem>>, vector<256x128xf32>
    tpu.vector_store %arg5[%swap3A_51, %swap3A_52], %transpose3A_50 {strides = array<i32>} : memref<8192x128xf32, #tpu.memory_space<vmem>>, vector<256x128xf32>,
    %slice3A_54 = vector.extract_strided_slice %select_n3A {offsets = [256, 0], sizes = [128, 256], strides = [1, 1]} : vector<4096x256xf32> to vector<128x256xf32>
    %transpose3A_55 = tpu.transpose %slice3A_54, [1, 0] : vector<128x256xf32> -> vector<256x128xf32>
    %swap3A_56 = arith.constant 512 : index
    %swap3A_57 = arith.constant 0 : index
    %swap3A_58 = vector.load %arg5[%swap3A_56, %swap3A_57] : memref<8192x128xf32, #tpu.memory_space<vmem>>, vector<256x128xf32>
    tpu.vector_store %arg5[%swap3A_56, %swap3A_57], %transpose3A_55 {strides = array<i32>} : memref<8192x128xf32, #tpu.memory_space<vmem>>, vector<256x128xf32>,
    %slice3A_59 = vector.extract_strided_slice %select_n3A {offsets = [384, 0], sizes = [128, 256], strides = [1, 1]} : vector<4096x256xf32> to vector<128x256xf32>
    %transpose3A_60 = tpu.transpose %slice3A_59, [1, 0] : vector<128x256xf32> -> vector<256x128xf32>
    %swap3A_61 = arith.constant 768 : index
    %swap3A_62 = arith.constant 0 : index
    %swap3A_63 = vector.load %arg5[%swap3A_61, %swap3A_62] : memref<8192x128xf32, #tpu.memory_space<vmem>>, vector<256x128xf32>
    tpu.vector_store %arg5[%swap3A_61, %swap3A_62], %transpose3A_60 {strides = array<i32>} : memref<8192x128xf32, #tpu.memory_space<vmem>>, vector<256x128xf32>,
    %slice3A_64 = vector.extract_strided_slice %select_n3A {offsets = [512, 0], sizes = [128, 256], strides = [1, 1]} : vector<4096x256xf32> to vector<128x256xf32>
    %transpose3A_65 = tpu.transpose %slice3A_64, [1, 0] : vector<128x256xf32> -> vector<256x128xf32>
    %swap3A_66 = arith.constant 1024 : index
    %swap3A_67 = arith.constant 0 : index
    %swap3A_68 = vector.load %arg5[%swap3A_66, %swap3A_67] : memref<8192x128xf32, #tpu.memory_space<vmem>>, vector<256x128xf32>
    tpu.vector_store %arg5[%swap3A_66, %swap3A_67], %transpose3A_65 {strides = array<i32>} : memref<8192x128xf32, #tpu.memory_space<vmem>>, vector<256x128xf32>,
    %slice3A_69 = vector.extract_strided_slice %select_n3A {offsets = [640, 0], sizes = [128, 256], strides = [1, 1]} : vector<4096x256xf32> to vector<128x256xf32>
    %transpose3A_70 = tpu.transpose %slice3A_69, [1, 0] : vector<128x256xf32> -> vector<256x128xf32>
    %swap3A_71 = arith.constant 1280 : index
    %swap3A_72 = arith.constant 0 : index
    %swap3A_73 = vector.load %arg5[%swap3A_71, %swap3A_72] : memref<8192x128xf32, #tpu.memory_space<vmem>>, vector<256x128xf32>
    tpu.vector_store %arg5[%swap3A_71, %swap3A_72], %transpose3A_70 {strides = array<i32>} : memref<8192x128xf32, #tpu.memory_space<vmem>>, vector<256x128xf32>,
    %slice3A_74 = vector.extract_strided_slice %select_n3A {offsets = [768, 0], sizes = [128, 256], strides = [1, 1]} : vector<4096x256xf32> to vector<128x256xf32>
    %transpose3A_75 = tpu.transpose %slice3A_74, [1, 0] : vector<128x256xf32> -> vector<256x128xf32>
    %swap3A_76 = arith.constant 1536 : index
    %swap3A_77 = arith.constant 0 : index
    %swap3A_78 = vector.load %arg5[%swap3A_76, %swap3A_77] : memref<8192x128xf32, #tpu.memory_space<vmem>>, vector<256x128xf32>
    tpu.vector_store %arg5[%swap3A_76, %swap3A_77], %transpose3A_75 {strides = array<i32>} : memref<8192x128xf32, #tpu.memory_space<vmem>>, vector<256x128xf32>,
    %slice3A_79 = vector.extract_strided_slice %select_n3A {offsets = [896, 0], sizes = [128, 256], strides = [1, 1]} : vector<4096x256xf32> to vector<128x256xf32>
    %transpose3A_80 = tpu.transpose %slice3A_79, [1, 0] : vector<128x256xf32> -> vector<256x128xf32>
    %swap3A_81 = arith.constant 1792 : index
    %swap3A_82 = arith.constant 0 : index
    %swap3A_83 = vector.load %arg5[%swap3A_81, %swap3A_82] : memref<8192x128xf32, #tpu.memory_space<vmem>>, vector<256x128xf32>
    tpu.vector_store %arg5[%swap3A_81, %swap3A_82], %transpose3A_80 {strides = array<i32>} : memref<8192x128xf32, #tpu.memory_space<vmem>>, vector<256x128xf32>,
    %slice3A_84 = vector.extract_strided_slice %select_n3A {offsets = [1024, 0], sizes = [128, 256], strides = [1, 1]} : vector<4096x256xf32> to vector<128x256xf32>
    %transpose3A_85 = tpu.transpose %slice3A_84, [1, 0] : vector<128x256xf32> -> vector<256x128xf32>
    %swap3A_86 = arith.constant 2048 : index
    %swap3A_87 = arith.constant 0 : index
    %swap3A_88 = vector.load %arg5[%swap3A_86, %swap3A_87] : memref<8192x128xf32, #tpu.memory_space<vmem>>, vector<256x128xf32>
    tpu.vector_store %arg5[%swap3A_86, %swap3A_87], %transpose3A_85 {strides = array<i32>} : memref<8192x128xf32, #tpu.memory_space<vmem>>, vector<256x128xf32>,
    %slice3A_89 = vector.extract_strided_slice %select_n3A {offsets = [1152, 0], sizes = [128, 256], strides = [1, 1]} : vector<4096x256xf32> to vector<128x256xf32>
    %transpose3A_90 = tpu.transpose %slice3A_89, [1, 0] : vector<128x256xf32> -> vector<256x128xf32>
    %swap3A_91 = arith.constant 2304 : index
    %swap3A_92 = arith.constant 0 : index
    %swap3A_93 = vector.load %arg5[%swap3A_91, %swap3A_92] : memref<8192x128xf32, #tpu.memory_space<vmem>>, vector<256x128xf32>
    tpu.vector_store %arg5[%swap3A_91, %swap3A_92], %transpose3A_90 {strides = array<i32>} : memref<8192x128xf32, #tpu.memory_space<vmem>>, vector<256x128xf32>,
    %slice3A_94 = vector.extract_strided_slice %select_n3A {offsets = [1280, 0], sizes = [128, 256], strides = [1, 1]} : vector<4096x256xf32> to vector<128x256xf32>
    %transpose3A_95 = tpu.transpose %slice3A_94, [1, 0] : vector<128x256xf32> -> vector<256x128xf32>
    %swap3A_96 = arith.constant 2560 : index
    %swap3A_97 = arith.constant 0 : index
    %swap3A_98 = vector.load %arg5[%swap3A_96, %swap3A_97] : memref<8192x128xf32, #tpu.memory_space<vmem>>, vector<256x128xf32>
    tpu.vector_store %arg5[%swap3A_96, %swap3A_97], %transpose3A_95 {strides = array<i32>} : memref<8192x128xf32, #tpu.memory_space<vmem>>, vector<256x128xf32>,
    %slice3A_99 = vector.extract_strided_slice %select_n3A {offsets = [1408, 0], sizes = [128, 256], strides = [1, 1]} : vector<4096x256xf32> to vector<128x256xf32>
    %transpose3A_100 = tpu.transpose %slice3A_99, [1, 0] : vector<128x256xf32> -> vector<256x128xf32>
    %swap3A_101 = arith.constant 2816 : index
    %swap3A_102 = arith.constant 0 : index
    %swap3A_103 = vector.load %arg5[%swap3A_101, %swap3A_102] : memref<8192x128xf32, #tpu.memory_space<vmem>>, vector<256x128xf32>
    tpu.vector_store %arg5[%swap3A_101, %swap3A_102], %transpose3A_100 {strides = array<i32>} : memref<8192x128xf32, #tpu.memory_space<vmem>>, vector<256x128xf32>,
    %slice3A_104 = vector.extract_strided_slice %select_n3A {offsets = [1536, 0], sizes = [128, 256], strides = [1, 1]} : vector<4096x256xf32> to vector<128x256xf32>
    %transpose3A_105 = tpu.transpose %slice3A_104, [1, 0] : vector<128x256xf32> -> vector<256x128xf32>
    %swap3A_106 = arith.constant 3072 : index
    %swap3A_107 = arith.constant 0 : index
    %swap3A_108 = vector.load %arg5[%swap3A_106, %swap3A_107] : memref<8192x128xf32, #tpu.memory_space<vmem>>, vector<256x128xf32>
    tpu.vector_store %arg5[%swap3A_106, %swap3A_107], %transpose3A_105 {strides = array<i32>} : memref<8192x128xf32, #tpu.memory_space<vmem>>, vector<256x128xf32>,
    %slice3A_109 = vector.extract_strided_slice %select_n3A {offsets = [1664, 0], sizes = [128, 256], strides = [1, 1]} : vector<4096x256xf32> to vector<128x256xf32>
    %transpose3A_110 = tpu.transpose %slice3A_109, [1, 0] : vector<128x256xf32> -> vector<256x128xf32>
    %swap3A_111 = arith.constant 3328 : index
    %swap3A_112 = arith.constant 0 : index
    %swap3A_113 = vector.load %arg5[%swap3A_111, %swap3A_112] : memref<8192x128xf32, #tpu.memory_space<vmem>>, vector<256x128xf32>
    tpu.vector_store %arg5[%swap3A_111, %swap3A_112], %transpose3A_110 {strides = array<i32>} : memref<8192x128xf32, #tpu.memory_space<vmem>>, vector<256x128xf32>,
    %slice3A_114 = vector.extract_strided_slice %select_n3A {offsets = [1792, 0], sizes = [128, 256], strides = [1, 1]} : vector<4096x256xf32> to vector<128x256xf32>
    %transpose3A_115 = tpu.transpose %slice3A_114, [1, 0] : vector<128x256xf32> -> vector<256x128xf32>
    %swap3A_116 = arith.constant 3584 : index
    %swap3A_117 = arith.constant 0 : index
    %swap3A_118 = vector.load %arg5[%swap3A_116, %swap3A_117] : memref<8192x128xf32, #tpu.memory_space<vmem>>, vector<256x128xf32>
    tpu.vector_store %arg5[%swap3A_116, %swap3A_117], %transpose3A_115 {strides = array<i32>} : memref<8192x128xf32, #tpu.memory_space<vmem>>, vector<256x128xf32>,
    %slice3A_119 = vector.extract_strided_slice %select_n3A {offsets = [1920, 0], sizes = [128, 256], strides = [1, 1]} : vector<4096x256xf32> to vector<128x256xf32>
    %transpose3A_120 = tpu.transpose %slice3A_119, [1, 0] : vector<128x256xf32> -> vector<256x128xf32>
    %swap3A_121 = arith.constant 3840 : index
    %swap3A_122 = arith.constant 0 : index
    %swap3A_123 = vector.load %arg5[%swap3A_121, %swap3A_122] : memref<8192x128xf32, #tpu.memory_space<vmem>>, vector<256x128xf32>
    tpu.vector_store %arg5[%swap3A_121, %swap3A_122], %transpose3A_120 {strides = array<i32>} : memref<8192x128xf32, #tpu.memory_space<vmem>>, vector<256x128xf32>,
    %slice3A_124 = vector.extract_strided_slice %select_n3A {offsets = [2048, 0], sizes = [128, 256], strides = [1, 1]} : vector<4096x256xf32> to vector<128x256xf32>
    %transpose3A_125 = tpu.transpose %slice3A_124, [1, 0] : vector<128x256xf32> -> vector<256x128xf32>
    %swap3A_126 = arith.constant 4096 : index
    %swap3A_127 = arith.constant 0 : index
    %swap3A_128 = vector.load %arg5[%swap3A_126, %swap3A_127] : memref<8192x128xf32, #tpu.memory_space<vmem>>, vector<256x128xf32>
    tpu.vector_store %arg5[%swap3A_126, %swap3A_127], %transpose3A_125 {strides = array<i32>} : memref<8192x128xf32, #tpu.memory_space<vmem>>, vector<256x128xf32>,
    %slice3A_129 = vector.extract_strided_slice %select_n3A {offsets = [2176, 0], sizes = [128, 256], strides = [1, 1]} : vector<4096x256xf32> to vector<128x256xf32>
    %transpose3A_130 = tpu.transpose %slice3A_129, [1, 0] : vector<128x256xf32> -> vector<256x128xf32>
    %swap3A_131 = arith.constant 4352 : index
    %swap3A_132 = arith.constant 0 : index
    %swap3A_133 = vector.load %arg5[%swap3A_131, %swap3A_132] : memref<8192x128xf32, #tpu.memory_space<vmem>>, vector<256x128xf32>
    tpu.vector_store %arg5[%swap3A_131, %swap3A_132], %transpose3A_130 {strides = array<i32>} : memref<8192x128xf32, #tpu.memory_space<vmem>>, vector<256x128xf32>,
    %slice3A_134 = vector.extract_strided_slice %select_n3A {offsets = [2304, 0], sizes = [128, 256], strides = [1, 1]} : vector<4096x256xf32> to vector<128x256xf32>
    %transpose3A_135 = tpu.transpose %slice3A_134, [1, 0] : vector<128x256xf32> -> vector<256x128xf32>
    %swap3A_136 = arith.constant 4608 : index
    %swap3A_137 = arith.constant 0 : index
    %swap3A_138 = vector.load %arg5[%swap3A_136, %swap3A_137] : memref<8192x128xf32, #tpu.memory_space<vmem>>, vector<256x128xf32>
    tpu.vector_store %arg5[%swap3A_136, %swap3A_137], %transpose3A_135 {strides = array<i32>} : memref<8192x128xf32, #tpu.memory_space<vmem>>, vector<256x128xf32>,
    %slice3A_139 = vector.extract_strided_slice %select_n3A {offsets = [2432, 0], sizes = [128, 256], strides = [1, 1]} : vector<4096x256xf32> to vector<128x256xf32>
    %transpose3A_140 = tpu.transpose %slice3A_139, [1, 0] : vector<128x256xf32> -> vector<256x128xf32>
    %swap3A_141 = arith.constant 4864 : index
    %swap3A_142 = arith.constant 0 : index
    %swap3A_143 = vector.load %arg5[%swap3A_141, %swap3A_142] : memref<8192x128xf32, #tpu.memory_space<vmem>>, vector<256x128xf32>
    tpu.vector_store %arg5[%swap3A_141, %swap3A_142], %transpose3A_140 {strides = array<i32>} : memref<8192x128xf32, #tpu.memory_space<vmem>>, vector<256x128xf32>,
    %slice3A_144 = vector.extract_strided_slice %select_n3A {offsets = [2560, 0], sizes = [128, 256], strides = [1, 1]} : vector<4096x256xf32> to vector<128x256xf32>
    %transpose3A_145 = tpu.transpose %slice3A_144, [1, 0] : vector<128x256xf32> -> vector<256x128xf32>
    %swap3A_146 = arith.constant 5120 : index
    %swap3A_147 = arith.constant 0 : index
    %swap3A_148 = vector.load %arg5[%swap3A_146, %swap3A_147] : memref<8192x128xf32, #tpu.memory_space<vmem>>, vector<256x128xf32>
    tpu.vector_store %arg5[%swap3A_146, %swap3A_147], %transpose3A_145 {strides = array<i32>} : memref<8192x128xf32, #tpu.memory_space<vmem>>, vector<256x128xf32>,
    %slice3A_149 = vector.extract_strided_slice %select_n3A {offsets = [2688, 0], sizes = [128, 256], strides = [1, 1]} : vector<4096x256xf32> to vector<128x256xf32>
    %transpose3A_150 = tpu.transpose %slice3A_149, [1, 0] : vector<128x256xf32> -> vector<256x128xf32>
    %swap3A_151 = arith.constant 5376 : index
    %swap3A_152 = arith.constant 0 : index
    %swap3A_153 = vector.load %arg5[%swap3A_151, %swap3A_152] : memref<8192x128xf32, #tpu.memory_space<vmem>>, vector<256x128xf32>
    tpu.vector_store %arg5[%swap3A_151, %swap3A_152], %transpose3A_150 {strides = array<i32>} : memref<8192x128xf32, #tpu.memory_space<vmem>>, vector<256x128xf32>,
    %slice3A_154 = vector.extract_strided_slice %select_n3A {offsets = [2816, 0], sizes = [128, 256], strides = [1, 1]} : vector<4096x256xf32> to vector<128x256xf32>
    %transpose3A_155 = tpu.transpose %slice3A_154, [1, 0] : vector<128x256xf32> -> vector<256x128xf32>
    %swap3A_156 = arith.constant 5632 : index
    %swap3A_157 = arith.constant 0 : index
    %swap3A_158 = vector.load %arg5[%swap3A_156, %swap3A_157] : memref<8192x128xf32, #tpu.memory_space<vmem>>, vector<256x128xf32>
    tpu.vector_store %arg5[%swap3A_156, %swap3A_157], %transpose3A_155 {strides = array<i32>} : memref<8192x128xf32, #tpu.memory_space<vmem>>, vector<256x128xf32>,
    %slice3A_159 = vector.extract_strided_slice %select_n3A {offsets = [2944, 0], sizes = [128, 256], strides = [1, 1]} : vector<4096x256xf32> to vector<128x256xf32>
    %transpose3A_160 = tpu.transpose %slice3A_159, [1, 0] : vector<128x256xf32> -> vector<256x128xf32>
    %swap3A_161 = arith.constant 5888 : index
    %swap3A_162 = arith.constant 0 : index
    %swap3A_163 = vector.load %arg5[%swap3A_161, %swap3A_162] : memref<8192x128xf32, #tpu.memory_space<vmem>>, vector<256x128xf32>
    tpu.vector_store %arg5[%swap3A_161, %swap3A_162], %transpose3A_160 {strides = array<i32>} : memref<8192x128xf32, #tpu.memory_space<vmem>>, vector<256x128xf32>,
    %slice3A_164 = vector.extract_strided_slice %select_n3A {offsets = [3072, 0], sizes = [128, 256], strides = [1, 1]} : vector<4096x256xf32> to vector<128x256xf32>
    %transpose3A_165 = tpu.transpose %slice3A_164, [1, 0] : vector<128x256xf32> -> vector<256x128xf32>
    %swap3A_166 = arith.constant 6144 : index
    %swap3A_167 = arith.constant 0 : index
    %swap3A_168 = vector.load %arg5[%swap3A_166, %swap3A_167] : memref<8192x128xf32, #tpu.memory_space<vmem>>, vector<256x128xf32>
    tpu.vector_store %arg5[%swap3A_166, %swap3A_167], %transpose3A_165 {strides = array<i32>} : memref<8192x128xf32, #tpu.memory_space<vmem>>, vector<256x128xf32>,
    %slice3A_169 = vector.extract_strided_slice %select_n3A {offsets = [3200, 0], sizes = [128, 256], strides = [1, 1]} : vector<4096x256xf32> to vector<128x256xf32>
    %transpose3A_170 = tpu.transpose %slice3A_169, [1, 0] : vector<128x256xf32> -> vector<256x128xf32>
    %swap3A_171 = arith.constant 6400 : index
    %swap3A_172 = arith.constant 0 : index
    %swap3A_173 = vector.load %arg5[%swap3A_171, %swap3A_172] : memref<8192x128xf32, #tpu.memory_space<vmem>>, vector<256x128xf32>
    tpu.vector_store %arg5[%swap3A_171, %swap3A_172], %transpose3A_170 {strides = array<i32>} : memref<8192x128xf32, #tpu.memory_space<vmem>>, vector<256x128xf32>,
    %slice3A_174 = vector.extract_strided_slice %select_n3A {offsets = [3328, 0], sizes = [128, 256], strides = [1, 1]} : vector<4096x256xf32> to vector<128x256xf32>
    %transpose3A_175 = tpu.transpose %slice3A_174, [1, 0] : vector<128x256xf32> -> vector<256x128xf32>
    %swap3A_176 = arith.constant 6656 : index
    %swap3A_177 = arith.constant 0 : index
    %swap3A_178 = vector.load %arg5[%swap3A_176, %swap3A_177] : memref<8192x128xf32, #tpu.memory_space<vmem>>, vector<256x128xf32>
    tpu.vector_store %arg5[%swap3A_176, %swap3A_177], %transpose3A_175 {strides = array<i32>} : memref<8192x128xf32, #tpu.memory_space<vmem>>, vector<256x128xf32>,
    %slice3A_179 = vector.extract_strided_slice %select_n3A {offsets = [3456, 0], sizes = [128, 256], strides = [1, 1]} : vector<4096x256xf32> to vector<128x256xf32>
    %transpose3A_180 = tpu.transpose %slice3A_179, [1, 0] : vector<128x256xf32> -> vector<256x128xf32>
    %swap3A_181 = arith.constant 6912 : index
    %swap3A_182 = arith.constant 0 : index
    %swap3A_183 = vector.load %arg5[%swap3A_181, %swap3A_182] : memref<8192x128xf32, #tpu.memory_space<vmem>>, vector<256x128xf32>
    tpu.vector_store %arg5[%swap3A_181, %swap3A_182], %transpose3A_180 {strides = array<i32>} : memref<8192x128xf32, #tpu.memory_space<vmem>>, vector<256x128xf32>,
    %slice3A_184 = vector.extract_strided_slice %select_n3A {offsets = [3584, 0], sizes = [128, 256], strides = [1, 1]} : vector<4096x256xf32> to vector<128x256xf32>
    %transpose3A_185 = tpu.transpose %slice3A_184, [1, 0] : vector<128x256xf32> -> vector<256x128xf32>
    %swap3A_186 = arith.constant 7168 : index
    %swap3A_187 = arith.constant 0 : index
    %swap3A_188 = vector.load %arg5[%swap3A_186, %swap3A_187] : memref<8192x128xf32, #tpu.memory_space<vmem>>, vector<256x128xf32>
    tpu.vector_store %arg5[%swap3A_186, %swap3A_187], %transpose3A_185 {strides = array<i32>} : memref<8192x128xf32, #tpu.memory_space<vmem>>, vector<256x128xf32>,
    %slice3A_189 = vector.extract_strided_slice %select_n3A {offsets = [3712, 0], sizes = [128, 256], strides = [1, 1]} : vector<4096x256xf32> to vector<128x256xf32>
    %transpose3A_190 = tpu.transpose %slice3A_189, [1, 0] : vector<128x256xf32> -> vector<256x128xf32>
    %swap3A_191 = arith.constant 7424 : index
    %swap3A_192 = arith.constant 0 : index
    %swap3A_193 = vector.load %arg5[%swap3A_191, %swap3A_192] : memref<8192x128xf32, #tpu.memory_space<vmem>>, vector<256x128xf32>
    tpu.vector_store %arg5[%swap3A_191, %swap3A_192], %transpose3A_190 {strides = array<i32>} : memref<8192x128xf32, #tpu.memory_space<vmem>>, vector<256x128xf32>,
    %slice3A_194 = vector.extract_strided_slice %select_n3A {offsets = [3840, 0], sizes = [128, 256], strides = [1, 1]} : vector<4096x256xf32> to vector<128x256xf32>
    %transpose3A_195 = tpu.transpose %slice3A_194, [1, 0] : vector<128x256xf32> -> vector<256x128xf32>
    %swap3A_196 = arith.constant 7680 : index
    %swap3A_197 = arith.constant 0 : index
    %swap3A_198 = vector.load %arg5[%swap3A_196, %swap3A_197] : memref<8192x128xf32, #tpu.memory_space<vmem>>, vector<256x128xf32>
    tpu.vector_store %arg5[%swap3A_196, %swap3A_197], %transpose3A_195 {strides = array<i32>} : memref<8192x128xf32, #tpu.memory_space<vmem>>, vector<256x128xf32>,
    %slice3A_199 = vector.extract_strided_slice %select_n3A {offsets = [3968, 0], sizes = [128, 256], strides = [1, 1]} : vector<4096x256xf32> to vector<128x256xf32>
    %transpose3A_200 = tpu.transpose %slice3A_199, [1, 0] : vector<128x256xf32> -> vector<256x128xf32>
    %swap3A_201 = arith.constant 7936 : index
    %swap3A_202 = arith.constant 0 : index
    %swap3A_203 = vector.load %arg5[%swap3A_201, %swap3A_202] : memref<8192x128xf32, #tpu.memory_space<vmem>>, vector<256x128xf32>
    tpu.vector_store %arg5[%swap3A_201, %swap3A_202], %transpose3A_200 {strides = array<i32>} : memref<8192x128xf32, #tpu.memory_space<vmem>>, vector<256x128xf32>,
    %reshape3A = vector.shape_cast %select_n3A : vector<4096x256xf32> to vector<256x16x256xf32>
    %reduce_max3A_204 = arith.constant dense<0xFF800000> : vector<256x256xf32>
    %reduce_max3A_205 = vector.multi_reduction <maximumf>, %reshape3A, %reduce_max3A_204 [1] : vector<256x16x256xf32> to vector<256x256xf32>
    %iota3A = tpu.iota {dimensions = array<i32: 0>} : vector<256x256xi32>
    %iota3A_206 = tpu.iota {dimensions = array<i32: 1>} : vector<1x256xi32>
    %broadcast_in_dim3A_207 = arith.constant 0.000000e+00 : f32
    %broadcast_in_dim3A_208 = vector.broadcast %broadcast_in_dim3A_207 : f32 to vector<1x256xf32>
    %scan3A = arith.constant 0 : i32
    %scan3A_209 = arith.constant 20 : i32
    %scan3A_210 = arith.addi %scan3A, %scan3A_209 : i32
    %scan3A_211 = arith.constant 1 : i32
    %scan3A_212:2 = scf.for %scan3A_220 = %scan3A to %scan3A_210 step %scan3A_211 iter_args(%scan3A_221 = %reduce_max3A_205, %scan3A_222 = %broadcast_in_dim3A_208) -> (vector<256x256xf32>, vector<1x256xf32>)  : i32 {
      %reduce_max3A_223 = arith.constant dense<0xFF800000> : vector<256xf32>
      %reduce_max3A_224 = vector.multi_reduction <maximumf>, %scan3A_221, %reduce_max3A_223 [0] : vector<256x256xf32> to vector<256xf32>
      %broadcast_in_dim3A_225 = vector.shape_cast %reduce_max3A_224 : vector<256xf32> to vector<1x256xf32>
      %eq3A_226 = vector.broadcast %broadcast_in_dim3A_225 : vector<1x256xf32> to vector<256x256xf32>
      %eq3A_227 = arith.cmpf oeq, %scan3A_221, %eq3A_226 : vector<256x256xf32>
      %jit3A_228 = arith.constant 256 : i32
      %broadcast_in_dim3A_229 = vector.broadcast %jit3A_228 : i32 to vector<256x256xi32>
      %select_n3A_230 = arith.select %eq3A_227, %iota3A, %broadcast_in_dim3A_229 : vector<256x256xi1>, vector<256x256xi32>
      %reduce_min3A = arith.constant dense<2147483647> : vector<256xi32>
      %reduce_min3A_231 = vector.multi_reduction <minsi>, %select_n3A_230, %reduce_min3A [0] : vector<256x256xi32> to vector<256xi32>
      %broadcast_in_dim3A_232 = vector.shape_cast %reduce_min3A_231 : vector<256xi32> to vector<1x256xi32>
      %eq3A_233 = vector.broadcast %broadcast_in_dim3A_232 : vector<1x256xi32> to vector<256x256xi32>
      %eq3A_234 = arith.cmpi eq, %iota3A, %eq3A_233 : vector<256x256xi32>
      %jit3A_235 = arith.constant 0xFF800000 : f32
      %broadcast_in_dim3A_236 = vector.broadcast %jit3A_235 : f32 to vector<256x256xf32>
      %select_n3A_237 = arith.select %eq3A_234, %broadcast_in_dim3A_236, %scan3A_221 : vector<256x256xi1>, vector<256x256xf32>
      %gt3A = arith.constant 0xFF800000 : f32
      %gt3A_238 = vector.broadcast %gt3A : f32 to vector<1x256xf32>
      %gt3A_239 = arith.cmpf ogt, %broadcast_in_dim3A_225, %gt3A_238 : vector<1x256xf32>
      %convert_element_type3A_240 = arith.extui %gt3A_239 : vector<1x256xi1> to vector<1x256xi32>
      %convert_element_type3A_241 = arith.sitofp %convert_element_type3A_240 : vector<1x256xi32> to vector<1x256xf32>
      %add3A = arith.addf %scan3A_222, %convert_element_type3A_241 : vector<1x256xf32>
      %mul3A = arith.constant 32 : i32
      %mul3A_242 = arith.muli %arg0, %mul3A : i32
      %shift_right_arithmetic3A = arith.constant 3 : i32
      %shift_right_arithmetic3A_243 = vector.broadcast %shift_right_arithmetic3A : i32 to vector<1x256xi32>
      %shift_right_arithmetic3A_244 = arith.shrsi %broadcast_in_dim3A_232, %shift_right_arithmetic3A_243 : vector<1x256xi32>
      %add3A_245 = vector.broadcast %mul3A_242 : i32 to vector<1x256xi32>
      %add3A_246 = arith.addi %add3A_245, %shift_right_arithmetic3A_244 : vector<1x256xi32>
      %mul3A_247 = arith.constant 256 : i32
      %mul3A_248 = vector.broadcast %mul3A_247 : i32 to vector<1x256xi32>
      %mul3A_249 = arith.muli %add3A_246, %mul3A_248 : vector<1x256xi32>
      %add3A_250 = arith.addi %mul3A_249, %iota3A_206 : vector<1x256xi32>
      %shift_left3A = arith.constant 3 : i32
      %shift_left3A_251 = vector.broadcast %shift_left3A : i32 to vector<1x256xi32>
      %shift_left3A_252 = arith.shli %add3A_250, %shift_left3A_251 : vector<1x256xi32>
      %and3A = arith.constant 7 : i32
      %and3A_253 = vector.broadcast %and3A : i32 to vector<1x256xi32>
      %and3A_254 = arith.andi %broadcast_in_dim3A_232, %and3A_253 : vector<1x256xi32>
      %add3A_255 = arith.addi %shift_left3A_252, %and3A_254 : vector<1x256xi32>
      %swap3A_256 = arith.constant 0 : index
      %swap3A_257 = arith.index_cast %scan3A_220 : i32 to index
      %swap3A_258 = arith.constant 0 : index
      %swap3A_259 = vector.load %arg6[%swap3A_256, %swap3A_257, %swap3A_258] : memref<1x20x256xi32, #tpu.memory_space<vmem>>, vector<1x1x256xi32>
      %swap3A_260 = vector.shape_cast %swap3A_259 : vector<1x1x256xi32> to vector<1x256xi32>
      %swap3A_261 = vector.shape_cast %add3A_255 : vector<1x256xi32> to vector<1x1x256xi32>
      tpu.vector_store %arg6[%swap3A_256, %swap3A_257, %swap3A_258], %swap3A_261 {strides = array<i32>} : memref<1x20x256xi32, #tpu.memory_space<vmem>>, vector<1x1x256xi32>,
      scf.yield %select_n3A_237, %add3A : vector<256x256xf32>, vector<1x256xf32>
    }
    %scan3A_213 = arith.constant 20 : i32
    %swap3A_214 = arith.constant 0 : index
    %swap3A_215 = arith.constant 0 : index
    %swap3A_216 = arith.constant 0 : index
    %swap3A_217 = vector.load %arg7[%swap3A_214, %swap3A_215, %swap3A_216] : memref<1x1x256xf32, #tpu.memory_space<vmem>>, vector<1x1x256xf32>
    %swap3A_218 = vector.shape_cast %swap3A_217 : vector<1x1x256xf32> to vector<1x256xf32>
    %swap3A_219 = vector.shape_cast %scan3A_212#1 : vector<1x256xf32> to vector<1x1x256xf32>
    tpu.vector_store %arg7[%swap3A_214, %swap3A_215, %swap3A_216], %swap3A_219 {strides = array<i32>} : memref<1x1x256xf32, #tpu.memory_space<vmem>>, vector<1x1x256xf32>,
    return
  }
  func.func @transform_0(%arg0: i32) -> (i32, i32, i32) {
    %c0_i32 = arith.constant 0 : i32
    %c0_i32_0 = arith.constant 0 : i32
    %c0_i32_1 = arith.constant 0 : i32
    return %arg0, %c0_i32, %c0_i32_0 : i32, i32, i32
  }
  func.func @transform_1(%arg0: i32) -> (i32, i32, i32) {
    %c0_i32 = arith.constant 0 : i32
    %c0_i32_0 = arith.constant 0 : i32
    %c0_i32_1 = arith.constant 0 : i32
    return %arg0, %c0_i32, %c0_i32_0 : i32, i32, i32
  }
  func.func @transform_2(%arg0: i32) -> (i32, i32, i32) {
    %c0_i32 = arith.constant 0 : i32
    %c0_i32_0 = arith.constant 0 : i32
    %c0_i32_1 = arith.constant 0 : i32
    return %arg0, %c0_i32, %c0_i32_0 : i32, i32, i32
  }
  func.func @transform_3(%arg0: i32) -> (i32, i32, i32) {
    %c0_i32 = arith.constant 0 : i32
    %c0_i32_0 = arith.constant 0 : i32
    %c0_i32_1 = arith.constant 0 : i32
    return %arg0, %c0_i32, %c0_i32_0 : i32, i32, i32
  }
  func.func @transform_4(%arg0: i32) -> (i32, i32) {
    %c0_i32 = arith.constant 0 : i32
    %c0_i32_0 = arith.constant 0 : i32
    return %arg0, %c0_i32 : i32, i32
  }
  func.func @transform_5(%arg0: i32) -> (i32, i32, i32) {
    %c0_i32 = arith.constant 0 : i32
    %c0_i32_0 = arith.constant 0 : i32
    %c0_i32_1 = arith.constant 0 : i32
    return %arg0, %c0_i32, %c0_i32_0 : i32, i32, i32
  }
  func.func @transform_6(%arg0: i32) -> (i32, i32, i32) {
    %c0_i32 = arith.constant 0 : i32
    %c0_i32_0 = arith.constant 0 : i32
    %c0_i32_1 = arith.constant 0 : i32
    return %arg0, %c0_i32, %c0_i32_0 : i32, i32, i32
  }
}

module attributes {stable_mosaic.version = 14 : i64} {
  func.func @_stage3_kernel(%arg0: i32, %arg1: memref<2048x320xf32, #tpu.memory_space<vmem>>, %arg2: memref<2048x1xf32, #tpu.memory_space<vmem>>, %arg3: memref<2048x1xf32, #tpu.memory_space<vmem>>) attributes {dimension_semantics = [#tpu.dimension_semantics<arbitrary>], iteration_bounds = array<i64: 8>, scalar_prefetch = 0 : i64, scratch_operands = 0 : i64, tpu.core_type = #tpu.core_type<tc>, window_params = [{transform_indices = @transform_0, window_bounds = array<i64: 2048, 320>}, {transform_indices = @transform_1, window_bounds = array<i64: 2048, 1>}, {transform_indices = @transform_2, window_bounds = array<i64: 2048, 1>}]} {
    %get3A = arith.constant 0 : index
    %get3A_0 = arith.constant 0 : index
    %get3A_1 = vector.load %arg1[%get3A, %get3A_0] : memref<2048x320xf32, #tpu.memory_space<vmem>>, vector<2048x320xf32>
    %get3A_2 = arith.constant 0 : index
    %get3A_3 = arith.constant 0 : index
    %get3A_4 = vector.load %arg2[%get3A_2, %get3A_3] : memref<2048x1xf32, #tpu.memory_space<vmem>>, vector<2048x1xf32>
    %iota3A = tpu.iota {dimensions = array<i32: 1>} : vector<2048x320xi32>
    %jit3A = arith.constant 16 : i32
    %div3A = vector.broadcast %jit3A : i32 to vector<2048x320xi32>
    %div3A_5 = arith.divsi %iota3A, %div3A : vector<2048x320xi32>
    %sign3A = arith.constant 0 : i32
    %sign3A_6 = vector.broadcast %sign3A : i32 to vector<2048x320xi32>
    %sign3A_7 = arith.cmpi sgt, %iota3A, %sign3A_6 : vector<2048x320xi32>
    %sign3A_8 = arith.extui %sign3A_7 : vector<2048x320xi1> to vector<2048x320xi32>
    %sign3A_9 = arith.constant 0 : i32
    %sign3A_10 = vector.broadcast %sign3A_9 : i32 to vector<2048x320xi32>
    %sign3A_11 = arith.cmpi slt, %iota3A, %sign3A_10 : vector<2048x320xi32>
    %sign3A_12 = arith.extui %sign3A_11 : vector<2048x320xi1> to vector<2048x320xi32>
    %sign3A_13 = arith.subi %sign3A_8, %sign3A_12 : vector<2048x320xi32>
    %sign3A_14 = arith.constant 0 : i32
    %sign3A_15 = arith.cmpi sgt, %jit3A, %sign3A_14 : i32
    %sign3A_16 = arith.extui %sign3A_15 : i1 to i32
    %sign3A_17 = arith.constant 0 : i32
    %sign3A_18 = arith.cmpi slt, %jit3A, %sign3A_17 : i32
    %sign3A_19 = arith.extui %sign3A_18 : i1 to i32
    %sign3A_20 = arith.subi %sign3A_16, %sign3A_19 : i32
    %ne3A = vector.broadcast %sign3A_20 : i32 to vector<2048x320xi32>
    %ne3A_21 = arith.cmpi ne, %sign3A_13, %ne3A : vector<2048x320xi32>
    %rem3A = vector.broadcast %jit3A : i32 to vector<2048x320xi32>
    %rem3A_22 = arith.remsi %iota3A, %rem3A : vector<2048x320xi32>
    %ne3A_23 = arith.constant 0 : i32
    %ne3A_24 = vector.broadcast %ne3A_23 : i32 to vector<2048x320xi32>
    %ne3A_25 = arith.cmpi ne, %rem3A_22, %ne3A_24 : vector<2048x320xi32>
    %and3A = arith.andi %ne3A_21, %ne3A_25 : vector<2048x320xi1>
    %sub3A = arith.constant 1 : i32
    %sub3A_26 = vector.broadcast %sub3A : i32 to vector<2048x320xi32>
    %sub3A_27 = arith.subi %div3A_5, %sub3A_26 : vector<2048x320xi32>
    %select_n3A = arith.select %and3A, %sub3A_27, %div3A_5 : vector<2048x320xi1>, vector<2048x320xi32>
    %convert_element_type3A = arith.sitofp %select_n3A : vector<2048x320xi32> to vector<2048x320xf32>
    %lt3A = vector.broadcast %get3A_4 : vector<2048x1xf32> to vector<2048x320xf32>
    %lt3A_28 = arith.cmpf olt, %convert_element_type3A, %lt3A : vector<2048x320xf32>
    %jit3A_29 = arith.constant 0xFF800000 : f32
    %broadcast_in_dim3A = vector.broadcast %jit3A_29 : f32 to vector<2048x320xf32>
    %select_n3A_30 = arith.select %lt3A_28, %get3A_1, %broadcast_in_dim3A : vector<2048x320xi1>, vector<2048x320xf32>
    %broadcast_in_dim3A_31 = arith.constant 0x7F800000 : f32
    %broadcast_in_dim3A_32 = vector.broadcast %broadcast_in_dim3A_31 : f32 to vector<2048x1xf32>
    %broadcast_in_dim3A_33 = arith.constant 0.000000e+00 : f32
    %broadcast_in_dim3A_34 = vector.broadcast %broadcast_in_dim3A_33 : f32 to vector<2048x1xf32>
    %broadcast_in_dim3A_35 = arith.constant 2.000000e+01 : f32
    %broadcast_in_dim3A_36 = vector.broadcast %broadcast_in_dim3A_35 : f32 to vector<2048x1xf32>
    %scan3A = arith.constant 0 : i32
    %scan3A_37 = arith.constant 20 : i32
    %scan3A_38 = arith.addi %scan3A, %scan3A_37 : i32
    %scan3A_39 = arith.constant 1 : i32
    %scan3A_40:3 = scf.for %scan3A_46 = %scan3A to %scan3A_38 step %scan3A_39 iter_args(%scan3A_47 = %broadcast_in_dim3A_32, %scan3A_48 = %broadcast_in_dim3A_34, %scan3A_49 = %broadcast_in_dim3A_36) -> (vector<2048x1xf32>, vector<2048x1xf32>, vector<2048x1xf32>)  : i32 {
      %lt3A_50 = vector.broadcast %scan3A_47 : vector<2048x1xf32> to vector<2048x320xf32>
      %lt3A_51 = arith.cmpf olt, %select_n3A_30, %lt3A_50 : vector<2048x320xf32>
      %jit3A_52 = arith.constant 0xFF800000 : f32
      %broadcast_in_dim3A_53 = vector.broadcast %jit3A_52 : f32 to vector<2048x320xf32>
      %select_n3A_54 = arith.select %lt3A_51, %select_n3A_30, %broadcast_in_dim3A_53 : vector<2048x320xi1>, vector<2048x320xf32>
      %reduce_max3A = arith.constant dense<0xFF800000> : vector<2048xf32>
      %reduce_max3A_55 = vector.multi_reduction <maximumf>, %select_n3A_54, %reduce_max3A [1] : vector<2048x320xf32> to vector<2048xf32>
      %broadcast_in_dim3A_56 = vector.shape_cast %reduce_max3A_55 : vector<2048xf32> to vector<2048x1xf32>
      %eq3A = vector.broadcast %broadcast_in_dim3A_56 : vector<2048x1xf32> to vector<2048x320xf32>
      %eq3A_57 = arith.cmpf oeq, %select_n3A_30, %eq3A : vector<2048x320xf32>
      %convert_element_type3A_58 = arith.extui %eq3A_57 : vector<2048x320xi1> to vector<2048x320xi32>
      %convert_element_type3A_59 = arith.sitofp %convert_element_type3A_58 : vector<2048x320xi32> to vector<2048x320xf32>
      %reduce_sum3A = arith.constant dense<0.000000e+00> : vector<2048xf32>
      %reduce_sum3A_60 = vector.multi_reduction <add>, %convert_element_type3A_59, %reduce_sum3A [1] : vector<2048x320xf32> to vector<2048xf32>
      %broadcast_in_dim3A_61 = vector.shape_cast %reduce_sum3A_60 : vector<2048xf32> to vector<2048x1xf32>
      %gt3A = arith.constant 0xFF800000 : f32
      %gt3A_62 = vector.broadcast %gt3A : f32 to vector<2048x1xf32>
      %gt3A_63 = arith.cmpf ogt, %broadcast_in_dim3A_56, %gt3A_62 : vector<2048x1xf32>
      %min3A = arith.minimumf %broadcast_in_dim3A_61, %scan3A_49 : vector<2048x1xf32>
      %jit3A_64 = arith.constant 0.000000e+00 : f32
      %broadcast_in_dim3A_65 = vector.broadcast %jit3A_64 : f32 to vector<2048x1xf32>
      %select_n3A_66 = arith.select %gt3A_63, %min3A, %broadcast_in_dim3A_65 : vector<2048x1xi1>, vector<2048x1xf32>
      %jit3A_67 = arith.constant 0.000000e+00 : f32
      %broadcast_in_dim3A_68 = vector.broadcast %jit3A_67 : f32 to vector<2048x1xf32>
      %select_n3A_69 = arith.select %gt3A_63, %broadcast_in_dim3A_56, %broadcast_in_dim3A_68 : vector<2048x1xi1>, vector<2048x1xf32>
      %mul3A = arith.mulf %select_n3A_66, %select_n3A_69 : vector<2048x1xf32>
      %add3A = arith.addf %scan3A_48, %mul3A : vector<2048x1xf32>
      %sub3A_70 = arith.subf %scan3A_49, %select_n3A_66 : vector<2048x1xf32>
      scf.yield %broadcast_in_dim3A_56, %add3A, %sub3A_70 : vector<2048x1xf32>, vector<2048x1xf32>, vector<2048x1xf32>
    }
    %div3A_41 = arith.constant 2.000000e+01 : f32
    %div3A_42 = vector.broadcast %div3A_41 : f32 to vector<2048x1xf32>
    %div3A_43 = arith.divf %scan3A_40#1, %div3A_42 : vector<2048x1xf32>
    %swap3A = arith.constant 0 : index
    %swap3A_44 = arith.constant 0 : index
    %swap3A_45 = vector.load %arg3[%swap3A, %swap3A_44] : memref<2048x1xf32, #tpu.memory_space<vmem>>, vector<2048x1xf32>
    tpu.vector_store %arg3[%swap3A, %swap3A_44], %div3A_43 {strides = array<i32>} : memref<2048x1xf32, #tpu.memory_space<vmem>>, vector<2048x1xf32>,
    return
  }
  func.func @transform_0(%arg0: i32) -> (i32, i32) {
    %c0_i32 = arith.constant 0 : i32
    %c0_i32_0 = arith.constant 0 : i32
    return %arg0, %c0_i32 : i32, i32
  }
  func.func @transform_1(%arg0: i32) -> (i32, i32) {
    %c0_i32 = arith.constant 0 : i32
    %c0_i32_0 = arith.constant 0 : i32
    return %arg0, %c0_i32 : i32, i32
  }
  func.func @transform_2(%arg0: i32) -> (i32, i32) {
    %c0_i32 = arith.constant 0 : i32
    %c0_i32_0 = arith.constant 0 : i32
    return %arg0, %c0_i32 : i32, i32
  }
}

</mosaic_0001>

<sc_bundles>
// kernel: kernel.5.cloned.1.call-start
scs
__scs_entry_jumppad:
0x0: {  	(pc) =	sbr.rel $0x88, $3  }
0x1: {  	(tag) =	ssettag $0x0;
	lr =	simm.s32 $0x1  }
0x2: {  	[smem:$0x3F9F] =	sst lr;
	_ =	strace $0xD0000000  }
0x3: {  	_ = 	snop  }
0x4: {  	_ = 	snop  }
0x5: {  	_ = 	snop  }
0x6: {  	_ = 	snop  }
0x7: {  	_ = 	snop  }
__scs_overlays_trampoline_lowered:
0x8: {  	[smem:$0x3FAE] =	sst s0  }
0x9: {  	[smem:$0x3FAF] =	sst s1  }
0xa: {  	[smem:$0x3FB0] =	sst s2  }
0xb: {  	[smem:$0x3FB1] =	sst s3  }
0xc: {  	[smem:$0x3FB2] =	sst s4  }
0xd: {  	[smem:$0x3FB3] =	sst s5  }
0xe: {  	[smem:$0x3FB4] =	sst s6  }
0xf: {  	[smem:$0x3FB5] =	sst s7  }
0x10: {  	[smem:$0x3FB6] =	sst s8  }
0x11: {  	[smem:$0x3FB7] =	sst s9;
	s0 =	simm.s32 @!p0 $0x0  }
0x12: {  	s1 =	sld [smem:$0x3F9D];
	s0 =	simm.s32 @p0 $0x1  }
0x13: {  	[smem:$0x3FB8] =	sst s0;
	s0 =	simm.s32 @!p1 $0x0  }
0x14: {  	s2 =	sld [smem:$0x3F9C];
	s0 =	simm.s32 @p1 $0x1  }
0x15: {  	[smem:$0x3FB9] =	sst s0;
	s0 =	simm.s32 @!p2 $0x0  }
0x16: {  	s3 =	sld [smem:$0x3FDB];
	s0 =	simm.s32 @p2 $0x1  }
0x17: {  	s4 =	simm.s32 $0x1BF5;
	[smem:$0x3FBB] =	sst s0  }
0x18: {  	s0 =	sld [smem:$0x3F9E];
	_ =	swait.ge [sflag:s4], $0x0  }
0x19: {  	s7 =	sld [smem:$0x3F9F]  }
0x1a: {  	s8 =	sadd.s32 $0xFFFFE003, lr  }
0x1b: {  	s9 =	sadd.s32 $0xFFFFFEF7, lr;
	s5 =	simm.s32 $0xFFFFFFFF;
	p2 =	slt.u32 s8, $0xFFFFF086  }
0x1c: {  	p1 =	slt.u32 s9, $0xF7A;
	s5 =	simm.s32 @!p2 $0x0  }
0x1d: {  	s5 =	simm.s32 @p1 $0x1;
	p0 =	seq.s32 s7, s2  }
0x1e: {  	s7 =	smul.u32 @!p0 $0xF7A, s2;
	p2 =	seq.s32 @!p0 s5, $0x0  }
0x1f: {  	s9 =	smul.u32 $0xF7A, s1;
	s8 =	simm.s32 @!p0 $0x1BF5;
	p2 =	por !p2, p0  }
0x20: {  	[sflag:s8] =	ssyncset.s32 @!p0 $0xFFFFF086;
	s6 =	sadd.s32 @!p0 s3, s7;
	s7 =	simm.s32 @!p0 $0x108  }
0x21: {  	s3 =	sadd.s32 s3, s9;
	s6 =	sadd.s32 @!p0 $0x88, s6;
	s7 =	simm.s32 @p2 $0x1082  }
0x22: {  	[simem:s7], [sflag:s8] =	dma.local @!p0 [hbm:s6], $0xF7A  }
0x23: {  	s9 =	sor.u32 $0xD0000000, s2;
	s6 =	simm.s32 $0x108;
	_ =	swait.ge @!p0 [sflag:s8], $0x0  }
0x24: {  	s3 =	sadd.s32 $0x88, s3;
	s6 =	simm.s32 @!p1 $0x1082;
	[sflag:s4] =	ssyncset.s32 $0xFFFFF086  }
0x25: {  	[simem:s6], [sflag:s4] =	dma.local [hbm:s3], $0xF7A  }
0x26: {  	[smem:$0x3F9F] =	sst s1;
	(tag) =	ssettag s2;
	_ =	strace s9  }
0x27: {  	s1 =	sld [smem:$0x3FAF]  }
0x28: {  	s2 =	sld [smem:$0x3FB0]  }
0x29: {  	s4 =	sld [smem:$0x3FB2]  }
0x2a: {  	p0 =	seq.s32 s5, $0x0;
	s5 =	sld [smem:$0x3FB3]  }
0x2b: {  	s6 =	sld [smem:$0x3FB4]  }
0x2c: {  	s7 =	sld [smem:$0x3FB5]  }
0x2d: {  	s3 =	simm.s32 $0x108;
	s8 =	sld [smem:$0x3FB6]  }
0x2e: {  	s3 =	simm.s32 @!p0 $0x1082;
	s9 =	sld [smem:$0x3FB7]  }
0x2f: {  	lr =	sadd.s32 s0, s3;
	s0 =	sld [smem:$0x3FAE]  }
0x30: {  	s3 =	sld [smem:$0x3FB1]  }
0x31: {  	[smem:$0x3FBA] =	sst s10  }
0x32: {  	s10 =	sld [smem:$0x3FB8];
	_ =	sdelay $0x3  }
0x33: {  	p0 =	seq.s32 s10, $0x1;
	s10 =	sld [smem:$0x3FBA];
	_ =	sdelay $0x3  }
0x34: {  	[smem:$0x3FBA] =	sst s10  }
0x35: {  	s10 =	sld [smem:$0x3FB9];
	_ =	sdelay $0x3  }
0x36: {  	p1 =	seq.s32 s10, $0x1;
	s10 =	sld [smem:$0x3FBA];
	_ =	sdelay $0x3  }
0x37: {  	[smem:$0x3FBA] =	sst s10  }
0x38: {  	s10 =	sld [smem:$0x3FBB]  }
0x39: {  	_ = 	snop;
	(pc) =	sbr.ind lr, $3  }
0x3a: {  	_ = 	snop  }
0x3b: {  	_ = 	snop  }
0x3c: {  	p2 =	seq.s32 s10, $0x1;
	s10 =	sld [smem:$0x3FBA]  }
0x3d: {  	_ =	shalt  }
0x3e: {  	_ =	shalt  }
0x3f: {  	_ =	shalt  }
0x40: {  	_ =	shalt  }
0x41: {  	_ =	shalt  }
0x42: {  	_ =	shalt  }
0x43: {  	_ =	shalt  }
0x44: {  	_ =	shalt  }
0x45: {  	_ =	shalt  }
0x46: {  	_ =	shalt  }
0x47: {  	_ =	shalt  }
0x48: {  	_ =	shalt  }
0x49: {  	_ =	shalt  }
0x4a: {  	_ =	shalt  }
0x4b: {  	_ =	shalt  }
0x4c: {  	_ =	shalt  }
0x4d: {  	_ =	shalt  }
0x4e: {  	_ =	shalt  }
0x4f: {  	_ =	shalt  }
0x50: {  	_ =	shalt  }
0x51: {  	_ =	shalt  }
0x52: {  	_ =	shalt  }
0x53: {  	_ =	shalt  }
0x54: {  	_ =	shalt  }
0x55: {  	_ =	shalt  }
0x56: {  	_ =	shalt  }
0x57: {  	_ =	shalt  }
0x58: {  	_ =	shalt  }
0x59: {  	_ =	shalt  }
0x5a: {  	_ =	shalt  }
0x5b: {  	_ =	shalt  }
0x5c: {  	_ =	shalt  }
0x5d: {  	_ =	shalt  }
0x5e: {  	_ =	shalt  }
0x5f: {  	_ =	shalt  }
0x60: {  	_ =	shalt  }
0x61: {  	_ =	shalt  }
0x62: {  	_ =	shalt  }
0x63: {  	_ =	shalt  }
0x64: {  	_ =	shalt  }
0x65: {  	_ =	shalt  }
0x66: {  	_ =	shalt  }
0x67: {  	_ =	shalt  }
0x68: {  	_ =	shalt  }
0x69: {  	_ =	shalt  }
0x6a: {  	_ =	shalt  }
0x6b: {  	_ =	shalt  }
0x6c: {  	_ =	shalt  }
0x6d: {  	_ =	shalt  }
0x6e: {  	_ =	shalt  }
0x6f: {  	_ =	shalt  }
0x70: {  	_ =	shalt  }
0x71: {  	_ =	shalt  }
0x72: {  	_ =	shalt  }
0x73: {  	_ =	shalt  }
0x74: {  	_ =	shalt  }
0x75: {  	_ =	shalt  }
0x76: {  	_ =	shalt  }
0x77: {  	_ =	shalt  }
0x78: {  	_ =	shalt  }
0x79: {  	_ =	shalt  }
0x7a: {  	_ =	shalt  }
0x7b: {  	_ =	shalt  }
0x7c: {  	_ =	shalt  }
0x7d: {  	_ =	shalt  }
0x7e: {  	_ =	shalt  }
0x7f: {  	_ =	shalt  }
0x80: {  	_ =	shalt  }
0x81: {  	_ =	shalt  }
0x82: {  	_ =	shalt  }
0x83: {  	_ =	shalt  }
0x84: {  	_ =	shalt  }
0x85: {  	_ =	shalt  }
0x86: {  	_ =	shalt  }
0x87: {  	_ =	shalt  }
.Lfunc_end0:
.L_simem_size_0:
called_computation_lowered:
.L_overlay_start_0:
0x88: {  	s2 =	sld [smem:$0x3FD9]  }
0x89: {  	s3 =	sld [smem:$0x3FFE];
	_ =	sdelay $0x1  }
0x8a: {  	s1 =	srdreg.scid  }
0x8b: {  	s0 =	sand.u32 $0x1, s1  }
0x8c: {  	s16 =	sshll.u32 s0, $0xA;
	s2 =	sadd.s32 s3, s2  }
0x8d: {  	s2 =	sadd.s32 s2, s16  }
0x8e: {  	[smem:$0x3FC6] =	sst s2  }
0x8f: {  	_ = 	snop  }
0x90: {  	(tm) =	ssettm $0x1  }
0x91: {  	s17 =	sld [smem:$0x3FFB];
	_ =	sdelay $0x3  }
0x92: {  	_ =	strace s17  }
0x93: {  	s2 =	sld [smem:$0x3FFC];
	_ =	sdelay $0x3  }
0x94: {  	_ =	strace s2  }
0x95: {  	s2 =	sld [smem:$0x3FFD];
	_ =	sdelay $0x3  }
0x96: {  	_ =	strace s2  }
0x97: {  	_ =	strace $0x8FFFFFFF  }
0x98: {  	s18 =	sld [smem:$0x3FDB];
	_ =	sdelay $0x1  }
0x99: {  	s19 =	simm.s32 $_scs_section_size  }
0x9a: {  	s4 =	simm.s32 $_size__tile_overlayer_lowered;
	s5 =	simm.s32 $_tile_overlayer_lowered  }
0x9b: {  	s22 =	simm.s32 $0x1BFF;
	s21 =	sshll.u32 s5, $0x1;
	s2 =	sadd.s32 s19, s18  }
0x9c: {  	s6 =	simm.s32 $0x0;
	s20 =	sshll.u32 s4, $0x1;
	s4 =	sadd.s32 s21, s2  }
0x9d: {  	[timem:s6], [sflag:s22] =	dma.local [hbm:s4], s20  }
0x9e: {  	_ =	swait.ge [sflag:s22], s20  }
0x9f: {  	s3 =	ssub.s32 $0x0, s20;
	[sflag:s22] =	ssyncset.done $0x0  }
0xa0: {  	[sflag:s22] =	ssyncadd.s32 s3;
	_ =	sdelay $0x1  }
0xa1: {  	s23 =	simm.s32 $0x1B8B  }
0xa2: {  	_ =	swait.ge [sflag:s23], $0x1  }
0xa3: {  	[sflag:s23] =	ssyncset.done $0x0  }
0xa4: {  	s25 =	simm.s32 $0x1B8E;
	s24 =	sld [smem:$0x3FFE];
	[sflag:s23] =	ssyncadd.s32 $0xFFFFFFFF  }
0xa5: {  	s26 =	simm.s32 $execute0_lowered;
	[smem:$0x3FD2] =	sst s25  }
0xa6: {  	s4 =	sshll.u32 s26, $0x1;
	_ =	strace $0x80000046;
	[dreg:$0x1] =	wrdreg $0xFFFFFFFF  }
0xa7: {  	s28 =	simm.s32 $_size_execute0_lowered;
	s2 =	sadd.s32 s2, s4;
	[dreg:$0x0] =	wrdreg $0x0  }
0xa8: {  	s4 =	sshll.u32 s28, $0x1;
	[dreg:$0x2] =	wrdreg s2  }
0xa9: {  	[dreg:$0x3] =	wrdreg s4  }
0xaa: {  	[dreg:$0x4] =	wrdreg $0xC0  }
0xab: {  	_ =	task [dreg:s6], $0x5FFFF  }
0xac: {  	[dreg:$0x1] =	wrdreg $0xFFFFFFFF  }
0xad: {  	[dreg:$0x0] =	wrdreg $0x60  }
0xae: {  	[dreg:$0x2] =	wrdreg s24  }
0xaf: {  	[dreg:$0x3] =	wrdreg $0x9  }
0xb0: {  	_ =	task.clear_ibuf [dreg:s6], $0x4FFFF;
	_ =	strace $0x90000046  }
0xb1: {  	s29 =	simm.s32 $0x9;
	_ =	strace $0x80000048  }
0xb2: {  	_ =	swait.ge [sflag:s29], $0x1  }
0xb3: {  	[sflag:s29] =	ssyncadd.s32 $0xFFFFFFFF  }
0xb4: {  	_ =	strace $0x90000048  }
0xb5: {  	_ =	sfence  }
0xb6: {  	s30 =	sld [smem:$0x0];
	_ =	sdelay $0x2  }
0xb7: {  	s31 =	sshll.u32 s1, $0xD;
	s1 =	sshrl.u32 s1, $0x2  }
0xb8: {  	s3 =	sand.u32 $0x4000, s31;
	s1 =	sadd.s32 s1, s30  }
0xb9: {  	s0 =	sor.u32 s3, s0;
	s1 =	sshll.u32 s1, $0x11  }
0xba: {  	s0 =	sor.u32 s1, s0  }
0xbb: {  	s0 =	sadd.s32 $0x8F2B, s0  }
0xbc: {  	[sflag:s0] =	ssyncadd.remote.s32 $0x1  }
0xbd: {  	_ =	sfence.sel $0xFFFF  }
0xbe: {  	[dreg:$0x0] =	wrdreg $0xFFFFFFFF;
	(pc) =	sbr.abs _section_cstart, $3  }
0xbf: {  	[dreg:$0x1] =	wrdreg $0xFFFFFFFF  }
0xc0: {  	_ =	task.clear_ibuf [dreg:s6], $0x2FFFF;
	_ =	strace $0x9FFFFFFF  }
0xc1: {  	(tm) =	ssettm $0x7FFFFFFF  }
tec
execute0_lowered:
.L_overlay_start_1:
0x0: {  	(tag) =	ssettag $0x1  }
0x1: {  	s1 =	srdreg.scid  }
0x2: {  	s0 =	stileid.u32;
	s4 =	rddreg [dreg:$0x0]  }
0x3: {  	s2 =	simm.s32 $0x0;
	s9 =	simm.s32 $0x2800;
	s10 =	simm.s32 $0x2B00  }
0x4: {  	s11 =	simm.s32 $0x140;
	s12 =	simm.s32 $0x2980;
	s13 =	simm.s32 $0xCB00  }
0x5: {  	s14 =	simm.s32 $0x1;
	s15 =	simm.s32 $0x16B00;
	s16 =	simm.s32 $0x2  }
0x6: {  	s3 =	sand.u32 $0x1, s1;
	s5 =	sshll.u32 s0, $0x1;
	s1 =	rddreg [dreg:$0x1]  }
0x7: {  	s17 =	simm.s32 $0x0;
	[smem:$0x7FF] =	sst s2;
	s5 =	sor.u32 s3, s5  }
0x8: {  	_ =	strace $0x80000047;
	s7 =	ssub.s32 $0x2, s3;
	s6 =	smul.u32 $0x500, s5  }
0x9: {  	s3 =	sadd.s32 $0x401000, s4;
	s8 =	sshrl.u32 s7, $0x1;
	s5 =	sshll.u32 s5, $0x9  }
0xa: {  	s7 =	ssub.s32 s7, s8;
	s8 =	simm.s32 $0x3;
	s6 =	sadd.s32 s6, s4  }
0xb: {  	v0 =	vlaneseq.u32;
	s4 =	sadd.s32 $0xC000, s4;
	s7 =	smax.u32 s7, $0x1;
	s6 =	sadd.s32 $0x2000, s6  }
.LBB2_1:
0xc: {  	[tilespmem:s2], [sflag:$0x3] =	stream.linear.gather [hbm4b:s6+s2], $0x2800, $0x38;
	[tilespmem:$0x18300] =	vst v63  }
0xd: {  	_ =	swait.ge [sflag:s8], $0x2800  }
0xe: {  	[sflag:s8] =	ssyncset.done $0x0  }
0xf: {  	[sflag:s8] =	ssyncadd.s32 $0xFFFFD800  }
0x10: {  	v1 =	vld [tilespmem:$0x0]  }
0x11: {  	v2 =	vld [tilespmem:$0x10]  }
0x12: {  	v3 =	vld [tilespmem:$0x20]  }
0x13: {  	v4 =	vld [tilespmem:$0x30]  }
0x14: {  	v5 =	vld [tilespmem:$0x40]  }
0x15: {  	v6 =	vld [tilespmem:$0x50];
	v1 =	vshra.s32 v1, $0x3  }
0x16: {  	[tilespmem:$0x2800] =	vst v1;
	v1 =	vshra.s32 v2, $0x3;
	v2 =	vld [tilespmem:$0x60]  }
0x17: {  	[tilespmem:$0x2810] =	vst v1;
	v1 =	vshra.s32 v3, $0x3;
	v3 =	vld [tilespmem:$0x70]  }
0x18: {  	v56 =	vld [tilespmem:$0x80];
	[tilespmem:$0x2820] =	vst v1;
	v1 =	vshra.s32 v4, $0x3  }
0x19: {  	v57 =	vld [tilespmem:$0x90];
	[tilespmem:$0x2830] =	vst v1;
	v1 =	vshra.s32 v5, $0x3  }
0x1a: {  	v58 =	vld [tilespmem:$0xA0];
	[tilespmem:$0x2840] =	vst v1;
	v1 =	vshra.s32 v6, $0x3  }
0x1b: {  	[tilespmem:$0x2850] =	vst v1;
	v1 =	vshra.s32 v2, $0x3;
	v2 =	vld [tilespmem:$0xB0]  }
0x1c: {  	[tilespmem:$0x2860] =	vst v1;
	v1 =	vshra.s32 v3, $0x3;
	v3 =	vld [tilespmem:$0xC0]  }
0x1d: {  	v59 =	vld [tilespmem:$0xD0];
	[tilespmem:$0x2870] =	vst v1;
	v1 =	vshra.s32 v56, $0x3  }
0x1e: {  	v60 =	vld [tilespmem:$0xE0];
	[tilespmem:$0x2880] =	vst v1;
	v1 =	vshra.s32 v57, $0x3  }
0x1f: {  	v61 =	vld [tilespmem:$0xF0];
	[tilespmem:$0x2890] =	vst v1;
	v1 =	vshra.s32 v58, $0x3  }
0x20: {  	[tilespmem:$0x28A0] =	vst v1;
	v1 =	vshra.s32 v2, $0x3;
	v2 =	vld [tilespmem:$0x100]  }
0x21: {  	[tilespmem:$0x28B0] =	vst v1;
	v1 =	vshra.s32 v3, $0x3;
	v3 =	vld [tilespmem:$0x110]  }
0x22: {  	v62 =	vld [tilespmem:$0x120];
	[tilespmem:$0x28C0] =	vst v1;
	v1 =	vshra.s32 v59, $0x3  }
0x23: {  	v63 =	vld [tilespmem:$0x130];
	[tilespmem:$0x28D0] =	vst v1;
	v1 =	vshra.s32 v60, $0x3  }
0x24: {  	[tilespmem:$0x28E0] =	vst v1;
	v1 =	vshra.s32 v61, $0x3  }
0x25: {  	[tilespmem:$0x28F0] =	vst v1;
	v1 =	vshra.s32 v2, $0x3  }
0x26: {  	[tilespmem:$0x2900] =	vst v1;
	v1 =	vshra.s32 v3, $0x3  }
0x27: {  	[tilespmem:$0x2910] =	vst v1;
	v1 =	vshra.s32 v62, $0x3  }
0x28: {  	s18 =	simm.s32 $0x280;
	[tilespmem:$0x2920] =	vst v1;
	v1 =	vshra.s32 v63, $0x3  }
0x29: {  	s19 =	simm.s32 $0x140;
	s20 =	simm.s32 $0x0;
	s21 =	simm.s32 $0x0;
	[tilespmem:$0x2930] =	vst v1  }
0x2a: {  	[tilespmem:s10], [sflag:$0x1] =	stream.indirect.gather [hbm4b:s3+s11], $0x80, s9, s11, $0xb8;
	[tilespmem:$0x18300] =	vst v63  }
.LBB2_2:
0x2b: {  	s22 =	sshllo.u32 s21, $0x1  }
0x2c: {  	s23 =	smul.u32 $0x500, s22;
	_ =	sdelay $0x1  }
0x2d: {  	s23 =	sshra.s32 s23, $0x2  }
0x2e: {  	v1 =	vld [tilespmem:s23+$0x0];
	_ =	sdelay $0x4  }
0x2f: {  	v1 =	vshra.s32 v1, $0x3  }
0x30: {  	[tilespmem:$0x2980] =	vst v1  }
0x31: {  	v1 =	vld [tilespmem:s23+$0x10];
	_ =	sdelay $0x4  }
0x32: {  	v1 =	vshra.s32 v1, $0x3  }
0x33: {  	[tilespmem:$0x2990] =	vst v1  }
0x34: {  	v1 =	vld [tilespmem:s23+$0x20];
	_ =	sdelay $0x4  }
0x35: {  	v1 =	vshra.s32 v1, $0x3  }
0x36: {  	[tilespmem:$0x29A0] =	vst v1  }
0x37: {  	v1 =	vld [tilespmem:s23+$0x30];
	_ =	sdelay $0x4  }
0x38: {  	v1 =	vshra.s32 v1, $0x3  }
0x39: {  	[tilespmem:$0x29B0] =	vst v1  }
0x3a: {  	v1 =	vld [tilespmem:s23+$0x40];
	_ =	sdelay $0x4  }
0x3b: {  	v1 =	vshra.s32 v1, $0x3  }
0x3c: {  	[tilespmem:$0x29C0] =	vst v1  }
0x3d: {  	v1 =	vld [tilespmem:s23+$0x50];
	_ =	sdelay $0x4  }
0x3e: {  	v1 =	vshra.s32 v1, $0x3  }
0x3f: {  	[tilespmem:$0x29D0] =	vst v1  }
0x40: {  	v1 =	vld [tilespmem:s23+$0x60];
	_ =	sdelay $0x4  }
0x41: {  	v1 =	vshra.s32 v1, $0x3  }
0x42: {  	[tilespmem:$0x29E0] =	vst v1  }
0x43: {  	v1 =	vld [tilespmem:s23+$0x70];
	_ =	sdelay $0x4  }
0x44: {  	v1 =	vshra.s32 v1, $0x3  }
0x45: {  	[tilespmem:$0x29F0] =	vst v1  }
0x46: {  	v1 =	vld [tilespmem:s23+$0x80];
	_ =	sdelay $0x4  }
0x47: {  	v1 =	vshra.s32 v1, $0x3  }
0x48: {  	[tilespmem:$0x2A00] =	vst v1  }
0x49: {  	v1 =	vld [tilespmem:s23+$0x90];
	_ =	sdelay $0x4  }
0x4a: {  	v1 =	vshra.s32 v1, $0x3  }
0x4b: {  	[tilespmem:$0x2A10] =	vst v1  }
0x4c: {  	v1 =	vld [tilespmem:s23+$0xA0];
	_ =	sdelay $0x4  }
0x4d: {  	v1 =	vshra.s32 v1, $0x3  }
0x4e: {  	[tilespmem:$0x2A20] =	vst v1  }
0x4f: {  	v1 =	vld [tilespmem:s23+$0xB0];
	_ =	sdelay $0x4  }
0x50: {  	v1 =	vshra.s32 v1, $0x3  }
0x51: {  	[tilespmem:$0x2A30] =	vst v1  }
0x52: {  	v1 =	vld [tilespmem:s23+$0xC0];
	_ =	sdelay $0x4  }
0x53: {  	v1 =	vshra.s32 v1, $0x3  }
0x54: {  	[tilespmem:$0x2A40] =	vst v1  }
0x55: {  	v1 =	vld [tilespmem:s23+$0xD0];
	_ =	sdelay $0x4  }
0x56: {  	v1 =	vshra.s32 v1, $0x3  }
0x57: {  	[tilespmem:$0x2A50] =	vst v1  }
0x58: {  	v1 =	vld [tilespmem:s23+$0xE0];
	_ =	sdelay $0x4  }
0x59: {  	v1 =	vshra.s32 v1, $0x3  }
0x5a: {  	[tilespmem:$0x2A60] =	vst v1  }
0x5b: {  	v1 =	vld [tilespmem:s23+$0xF0];
	_ =	sdelay $0x4  }
0x5c: {  	v1 =	vshra.s32 v1, $0x3  }
0x5d: {  	[tilespmem:$0x2A70] =	vst v1  }
0x5e: {  	v1 =	vld [tilespmem:s23+$0x100];
	_ =	sdelay $0x4  }
0x5f: {  	v1 =	vshra.s32 v1, $0x3  }
0x60: {  	[tilespmem:$0x2A80] =	vst v1  }
0x61: {  	v1 =	vld [tilespmem:s23+$0x110];
	_ =	sdelay $0x4  }
0x62: {  	v1 =	vshra.s32 v1, $0x3  }
0x63: {  	[tilespmem:$0x2A90] =	vst v1  }
0x64: {  	v1 =	vld [tilespmem:s23+$0x120];
	_ =	sdelay $0x4  }
0x65: {  	v1 =	vshra.s32 v1, $0x3  }
0x66: {  	[tilespmem:$0x2AA0] =	vst v1  }
0x67: {  	v1 =	vld [tilespmem:s23+$0x130];
	_ =	sdelay $0x4  }
0x68: {  	v1 =	vshra.s32 v1, $0x3  }
0x69: {  	[tilespmem:$0x2AB0] =	vst v1  }
0x6a: {  	[tilespmem:s13], [sflag:$0x2] =	stream.indirect.gather [hbm4b:s3+s11], $0x80, s12, s11, $0xb8;
	[tilespmem:$0x18300] =	vst v63  }
0x6b: {  	s30 =	simm.s32 $0x0;
	s24 =	sadd.s32 $0x0, s20;
	_ =	swait.ge [sflag:s14], $0xA000  }
0x6c: {  	s24 =	sand.u32 $0x7F80, s24;
	s25 =	sand.u32 $0x70, s30;
	[sflag:s14] =	ssyncset.done $0x0  }
0x6d: {  	s24 =	sor.u32 s25, s24;
	[sflag:s14] =	ssyncadd.s32 $0xFFFF6000  }
0x6e: {  	v1 =	vld [tilespmem:s24+$0x0];
	_ =	sdelay $0x1  }
0x6f: {  	v2 =	vor.u32 s30, v0  }
0x70: {  	v3 =	vmul.u32 $0xCCCD, v2;
	_ =	sdelay $0x1  }
0x71: {  	v4 =	vshrl.u32 v3, $0x14;
	v1 =	vshll.u32 v1, $0x4  }
0x72: {  	v5 =	vshll.u32 v2, $0x7;
	v4 =	vmul.u32 $0xFFFFFEC, v4;
	v1 =	vand.u32 $0x70, v1  }
0x73: {  	v1 =	vor.u32 v5, v1  }
0x74: {  	v6 =	vshrl.u32 v3, $0x17;
	v3 =	vshrl.u32 v3, $0xD;
	v2 =	vadd.s32 v2, v4  }
0x75: {  	v35 =	vmul.u32 $0xC00, v6;
	v4 =	vshll.u32 v2, $0x4;
	v2 =	vshll.u32 v2, $0x7  }
0x76: {  	v3 =	vand.u32 $0x380, v3;
	v4 =	vand.u32 $0x70, v4;
	v2 =	vand.u32 $0xFFFFFC00, v2  }
0x77: {  	v2 =	vadd.s32 v35, v2;
	v3 =	vor.u32 v3, v4  }
0x78: {  	v2 =	vor.u32 v2, v3;
	v36 =	vld.idx.msk [tilespmem:v1+s10+$0x0], $0xffff  }
0x79: {  	v3 =	vor.u32 $0x1, v1;
	_ =	sdelay $0x3  }
0x7a: {  	[tilespmem:v2+s15+$0x0] =	vst.idx.msk $0xffff, v36  }
0x7b: {  	v37 =	vor.u32 $0x1, v2;
	v3 =	vld.idx.msk [tilespmem:v3+s10+$0x0], $0xffff  }
0x7c: {  	v38 =	vor.u32 $0x2, v1;
	_ =	sdelay $0x3  }
0x7d: {  	[tilespmem:v37+s15+$0x0] =	vst.idx.msk $0xffff, v3  }
0x7e: {  	v39 =	vor.u32 $0x2, v2;
	v3 =	vld.idx.msk [tilespmem:v38+s10+$0x0], $0xffff  }
0x7f: {  	v40 =	vor.u32 $0x3, v1;
	_ =	sdelay $0x3  }
0x80: {  	[tilespmem:v39+s15+$0x0] =	vst.idx.msk $0xffff, v3  }
0x81: {  	v41 =	vor.u32 $0x3, v2;
	v3 =	vld.idx.msk [tilespmem:v40+s10+$0x0], $0xffff  }
0x82: {  	v42 =	vor.u32 $0x4, v1;
	_ =	sdelay $0x3  }
0x83: {  	[tilespmem:v41+s15+$0x0] =	vst.idx.msk $0xffff, v3  }
0x84: {  	v43 =	vor.u32 $0x4, v2;
	v3 =	vld.idx.msk [tilespmem:v42+s10+$0x0], $0xffff  }
0x85: {  	v44 =	vor.u32 $0x5, v1;
	_ =	sdelay $0x3  }
0x86: {  	[tilespmem:v43+s15+$0x0] =	vst.idx.msk $0xffff, v3  }
0x87: {  	v45 =	vor.u32 $0x5, v2;
	v3 =	vld.idx.msk [tilespmem:v44+s10+$0x0], $0xffff  }
0x88: {  	v46 =	vor.u32 $0x6, v1;
	_ =	sdelay $0x3  }
0x89: {  	[tilespmem:v45+s15+$0x0] =	vst.idx.msk $0xffff, v3  }
0x8a: {  	v47 =	vor.u32 $0x6, v2;
	v3 =	vld.idx.msk [tilespmem:v46+s10+$0x0], $0xffff  }
0x8b: {  	v48 =	vor.u32 $0x7, v1;
	_ =	sdelay $0x3  }
0x8c: {  	[tilespmem:v47+s15+$0x0] =	vst.idx.msk $0xffff, v3  }
0x8d: {  	v49 =	vor.u32 $0x7, v2;
	v3 =	vld.idx.msk [tilespmem:v48+s10+$0x0], $0xffff  }
0x8e: {  	v50 =	vor.u32 $0x8, v1;
	_ =	sdelay $0x3  }
0x8f: {  	[tilespmem:v49+s15+$0x0] =	vst.idx.msk $0xffff, v3  }
0x90: {  	v51 =	vor.u32 $0x8, v2;
	v3 =	vld.idx.msk [tilespmem:v50+s10+$0x0], $0xffff  }
0x91: {  	v52 =	vor.u32 $0x9, v1;
	_ =	sdelay $0x3  }
0x92: {  	[tilespmem:v51+s15+$0x0] =	vst.idx.msk $0xffff, v3  }
0x93: {  	v53 =	vor.u32 $0x9, v2;
	v3 =	vld.idx.msk [tilespmem:v52+s10+$0x0], $0xffff  }
0x94: {  	v54 =	vor.u32 $0xA, v1;
	_ =	sdelay $0x3  }
0x95: {  	[tilespmem:v53+s15+$0x0] =	vst.idx.msk $0xffff, v3  }
0x96: {  	v55 =	vor.u32 $0xA, v2;
	v3 =	vld.idx.msk [tilespmem:v54+s10+$0x0], $0xffff  }
0x97: {  	v56 =	vor.u32 $0xB, v1;
	_ =	sdelay $0x3  }
0x98: {  	[tilespmem:v55+s15+$0x0] =	vst.idx.msk $0xffff, v3  }
0x99: {  	v57 =	vor.u32 $0xB, v2;
	v3 =	vld.idx.msk [tilespmem:v56+s10+$0x0], $0xffff  }
0x9a: {  	v58 =	vor.u32 $0xC, v1;
	_ =	sdelay $0x3  }
0x9b: {  	[tilespmem:v57+s15+$0x0] =	vst.idx.msk $0xffff, v3  }
0x9c: {  	v59 =	vor.u32 $0xC, v2;
	v3 =	vld.idx.msk [tilespmem:v58+s10+$0x0], $0xffff  }
0x9d: {  	v60 =	vor.u32 $0xD, v1;
	_ =	sdelay $0x3  }
0x9e: {  	[tilespmem:v59+s15+$0x0] =	vst.idx.msk $0xffff, v3  }
0x9f: {  	v61 =	vor.u32 $0xD, v2;
	v3 =	vld.idx.msk [tilespmem:v60+s10+$0x0], $0xffff  }
0xa0: {  	v62 =	vor.u32 $0xE, v1;
	_ =	sdelay $0x3  }
0xa1: {  	[tilespmem:v61+s15+$0x0] =	vst.idx.msk $0xffff, v3  }
0xa2: {  	v63 =	vor.u32 $0xE, v2;
	v3 =	vld.idx.msk [tilespmem:v62+s10+$0x0], $0xffff  }
0xa3: {  	v1 =	vor.u32 $0xF, v1;
	_ =	sdelay $0x3  }
0xa4: {  	[tilespmem:v63+s15+$0x0] =	vst.idx.msk $0xffff, v3  }
0xa5: {  	v2 =	vor.u32 $0xF, v2;
	v1 =	vld.idx.msk [tilespmem:v1+s10+$0x0], $0xffff;
	_ =	sdelay $0x1  }
0xa6: {  	s31 =	sadd.s32 $0x10, s20;
	s23 =	simm.s32 $0x10  }
0xa7: {  	s25 =	sand.u32 $0x7F80, s31;
	s26 =	sand.u32 $0x70, s23;
	s24 =	simm.s32 $0x20  }
.LBB2_3:
0xa8: {  	p0 =	sne.s32 s24, $0x130  }
0xa9: {  	s25 =	sor.u32 s26, s25;
	[tilespmem:v2+s15+$0x0] =	vst.idx.msk $0xffff, v1;
	s26 =	smov.u32 s24;
	s24 =	sadd.s32 $0x10, s24  }
0xaa: {  	v1 =	vld [tilespmem:s25+$0x0];
	_ =	sdelay $0x2  }
0xab: {  	v2 =	vor.u32 s23, v0;
	s23 =	smov.u32 s26  }
0xac: {  	v3 =	vmul.u32 $0xCCCD, v2  }
0xad: {  	v4 =	vshll.u32 v2, $0x7;
	v1 =	vshll.u32 v1, $0x4  }
0xae: {  	v5 =	vshrl.u32 v3, $0x14;
	v6 =	vshrl.u32 v3, $0x17;
	v1 =	vand.u32 $0x70, v1  }
0xaf: {  	v5 =	vmul.u32 $0xFFFFFEC, v5;
	v1 =	vor.u32 v4, v1;
	v4 =	vmul.u32 $0xC00, v6  }
0xb0: {  	v3 =	vshrl.u32 v3, $0xD  }
0xb1: {  	v2 =	vadd.s32 v2, v5  }
0xb2: {  	v5 =	vshll.u32 v2, $0x4;
	v2 =	vshll.u32 v2, $0x7  }
0xb3: {  	v3 =	vand.u32 $0x380, v3;
	v5 =	vand.u32 $0x70, v5;
	v2 =	vand.u32 $0xFFFFFC00, v2  }
0xb4: {  	v3 =	vor.u32 v3, v5;
	v2 =	vadd.s32 v4, v2;
	v6 =	vld.idx.msk [tilespmem:v1+s10+$0x0], $0xffff  }
0xb5: {  	v2 =	vor.u32 v2, v3  }
0xb6: {  	v3 =	vor.u32 $0x1, v1;
	_ =	sdelay $0x3  }
0xb7: {  	[tilespmem:v2+s15+$0x0] =	vst.idx.msk $0xffff, v6  }
0xb8: {  	v3 =	vld.idx.msk [tilespmem:v3+s10+$0x0], $0xffff  }
0xb9: {  	v4 =	vor.u32 $0x1, v2  }
0xba: {  	v5 =	vor.u32 $0x2, v1;
	_ =	sdelay $0x3  }
0xbb: {  	[tilespmem:v4+s15+$0x0] =	vst.idx.msk $0xffff, v3  }
0xbc: {  	v3 =	vld.idx.msk [tilespmem:v5+s10+$0x0], $0xffff  }
0xbd: {  	v4 =	vor.u32 $0x2, v2  }
0xbe: {  	v5 =	vor.u32 $0x3, v1;
	_ =	sdelay $0x3  }
0xbf: {  	[tilespmem:v4+s15+$0x0] =	vst.idx.msk $0xffff, v3  }
0xc0: {  	v3 =	vld.idx.msk [tilespmem:v5+s10+$0x0], $0xffff  }
0xc1: {  	v4 =	vor.u32 $0x3, v2  }
0xc2: {  	v5 =	vor.u32 $0x4, v1;
	_ =	sdelay $0x3  }
0xc3: {  	[tilespmem:v4+s15+$0x0] =	vst.idx.msk $0xffff, v3  }
0xc4: {  	v3 =	vld.idx.msk [tilespmem:v5+s10+$0x0], $0xffff  }
0xc5: {  	v4 =	vor.u32 $0x4, v2  }
0xc6: {  	v5 =	vor.u32 $0x5, v1;
	_ =	sdelay $0x3  }
0xc7: {  	[tilespmem:v4+s15+$0x0] =	vst.idx.msk $0xffff, v3  }
0xc8: {  	v3 =	vld.idx.msk [tilespmem:v5+s10+$0x0], $0xffff  }
0xc9: {  	v4 =	vor.u32 $0x5, v2  }
0xca: {  	v5 =	vor.u32 $0x6, v1;
	_ =	sdelay $0x3  }
0xcb: {  	[tilespmem:v4+s15+$0x0] =	vst.idx.msk $0xffff, v3  }
0xcc: {  	v3 =	vld.idx.msk [tilespmem:v5+s10+$0x0], $0xffff  }
0xcd: {  	v4 =	vor.u32 $0x6, v2  }
0xce: {  	v5 =	vor.u32 $0x7, v1;
	_ =	sdelay $0x3  }
0xcf: {  	[tilespmem:v4+s15+$0x0] =	vst.idx.msk $0xffff, v3  }
0xd0: {  	v3 =	vld.idx.msk [tilespmem:v5+s10+$0x0], $0xffff  }
0xd1: {  	v4 =	vor.u32 $0x7, v2  }
0xd2: {  	v5 =	vor.u32 $0x8, v1;
	_ =	sdelay $0x3  }
0xd3: {  	[tilespmem:v4+s15+$0x0] =	vst.idx.msk $0xffff, v3  }
0xd4: {  	v3 =	vld.idx.msk [tilespmem:v5+s10+$0x0], $0xffff  }
0xd5: {  	v4 =	vor.u32 $0x8, v2  }
0xd6: {  	v5 =	vor.u32 $0x9, v1;
	_ =	sdelay $0x3  }
0xd7: {  	[tilespmem:v4+s15+$0x0] =	vst.idx.msk $0xffff, v3  }
0xd8: {  	v3 =	vld.idx.msk [tilespmem:v5+s10+$0x0], $0xffff  }
0xd9: {  	v4 =	vor.u32 $0x9, v2  }
0xda: {  	v5 =	vor.u32 $0xA, v1;
	_ =	sdelay $0x3  }
0xdb: {  	[tilespmem:v4+s15+$0x0] =	vst.idx.msk $0xffff, v3  }
0xdc: {  	v3 =	vld.idx.msk [tilespmem:v5+s10+$0x0], $0xffff  }
0xdd: {  	v4 =	vor.u32 $0xA, v2  }
0xde: {  	v5 =	vor.u32 $0xB, v1;
	_ =	sdelay $0x3  }
0xdf: {  	[tilespmem:v4+s15+$0x0] =	vst.idx.msk $0xffff, v3  }
0xe0: {  	v3 =	vld.idx.msk [tilespmem:v5+s10+$0x0], $0xffff  }
0xe1: {  	v4 =	vor.u32 $0xB, v2  }
0xe2: {  	v5 =	vor.u32 $0xC, v1;
	_ =	sdelay $0x3  }
0xe3: {  	[tilespmem:v4+s15+$0x0] =	vst.idx.msk $0xffff, v3  }
0xe4: {  	v3 =	vld.idx.msk [tilespmem:v5+s10+$0x0], $0xffff  }
0xe5: {  	v4 =	vor.u32 $0xC, v2  }
0xe6: {  	v5 =	vor.u32 $0xD, v1;
	_ =	sdelay $0x3  }
0xe7: {  	[tilespmem:v4+s15+$0x0] =	vst.idx.msk $0xffff, v3  }
0xe8: {  	v3 =	vld.idx.msk [tilespmem:v5+s10+$0x0], $0xffff  }
0xe9: {  	v4 =	vor.u32 $0xD, v2  }
0xea: {  	v5 =	vor.u32 $0xE, v1;
	_ =	sdelay $0x3  }
0xeb: {  	[tilespmem:v4+s15+$0x0] =	vst.idx.msk $0xffff, v3  }
0xec: {  	v3 =	vld.idx.msk [tilespmem:v5+s10+$0x0], $0xffff  }
0xed: {  	v4 =	vor.u32 $0xE, v2  }
0xee: {  	v1 =	vor.u32 $0xF, v1;
	_ =	sdelay $0x3  }
0xef: {  	[tilespmem:v4+s15+$0x0] =	vst.idx.msk $0xffff, v3  }
0xf0: {  	v1 =	vld.idx.msk [tilespmem:v1+s10+$0x0], $0xffff  }
.Ltmp0:
0xf1: {  	v2 =	vor.u32 $0xF, v2;
	(pc) =	sbr.rel @p0 .LBB2_3-.Ltmp0, $3  }
0xf2: {  	_ =	sdelay $0x1  }
0xf3: {  	s25 =	sadd.s32 s23, s20  }
0xf4: {  	s26 =	sand.u32 $0x70, s23;
	s25 =	sand.u32 $0x7F80, s25  }
0xf5: {  	_ =	sdelay $0x3  }
0xf6: {  	s24 =	sor.u32 s26, s25;
	[tilespmem:v2+s15+$0x0] =	vst.idx.msk $0xffff, v1  }
0xf7: {  	v1 =	vld [tilespmem:s24+$0x0];
	_ =	sdelay $0x1  }
0xf8: {  	v2 =	vor.u32 s23, v0  }
0xf9: {  	v3 =	vmul.u32 $0xCCCD, v2;
	_ =	sdelay $0x1  }
0xfa: {  	v4 =	vshrl.u32 v3, $0x14;
	v1 =	vshll.u32 v1, $0x4  }
0xfb: {  	v5 =	vshll.u32 v2, $0x7;
	v4 =	vmul.u32 $0xFFFFFEC, v4;
	v1 =	vand.u32 $0x70, v1  }
0xfc: {  	v1 =	vor.u32 v5, v1  }
0xfd: {  	v6 =	vshrl.u32 v3, $0x17;
	v3 =	vshrl.u32 v3, $0xD;
	v2 =	vadd.s32 v2, v4  }
0xfe: {  	v35 =	vmul.u32 $0xC00, v6;
	v4 =	vshll.u32 v2, $0x4;
	v2 =	vshll.u32 v2, $0x7  }
0xff: {  	v3 =	vand.u32 $0x380, v3;
	v4 =	vand.u32 $0x70, v4;
	v2 =	vand.u32 $0xFFFFFC00, v2  }
0x100: {  	v2 =	vadd.s32 v35, v2;
	v3 =	vor.u32 v3, v4  }
0x101: {  	v2 =	vor.u32 v2, v3;
	v36 =	vld.idx.msk [tilespmem:v1+s10+$0x0], $0xffff  }
0x102: {  	v3 =	vor.u32 $0x1, v1;
	_ =	sdelay $0x3  }
0x103: {  	[tilespmem:v2+s15+$0x0] =	vst.idx.msk $0xffff, v36  }
0x104: {  	v37 =	vor.u32 $0x1, v2;
	v3 =	vld.idx.msk [tilespmem:v3+s10+$0x0], $0xffff  }
0x105: {  	v38 =	vor.u32 $0x2, v1;
	_ =	sdelay $0x3  }
0x106: {  	[tilespmem:v37+s15+$0x0] =	vst.idx.msk $0xffff, v3  }
0x107: {  	v39 =	vor.u32 $0x2, v2;
	v3 =	vld.idx.msk [tilespmem:v38+s10+$0x0], $0xffff  }
0x108: {  	v40 =	vor.u32 $0x3, v1;
	_ =	sdelay $0x3  }
0x109: {  	[tilespmem:v39+s15+$0x0] =	vst.idx.msk $0xffff, v3  }
0x10a: {  	v41 =	vor.u32 $0x3, v2;
	v3 =	vld.idx.msk [tilespmem:v40+s10+$0x0], $0xffff  }
0x10b: {  	v42 =	vor.u32 $0x4, v1;
	_ =	sdelay $0x3  }
0x10c: {  	[tilespmem:v41+s15+$0x0] =	vst.idx.msk $0xffff, v3  }
0x10d: {  	v43 =	vor.u32 $0x4, v2;
	v3 =	vld.idx.msk [tilespmem:v42+s10+$0x0], $0xffff  }
0x10e: {  	v44 =	vor.u32 $0x5, v1;
	_ =	sdelay $0x3  }
0x10f: {  	[tilespmem:v43+s15+$0x0] =	vst.idx.msk $0xffff, v3  }
0x110: {  	v45 =	vor.u32 $0x5, v2;
	v3 =	vld.idx.msk [tilespmem:v44+s10+$0x0], $0xffff  }
0x111: {  	v46 =	vor.u32 $0x6, v1;
	_ =	sdelay $0x3  }
0x112: {  	[tilespmem:v45+s15+$0x0] =	vst.idx.msk $0xffff, v3  }
0x113: {  	v47 =	vor.u32 $0x6, v2;
	v3 =	vld.idx.msk [tilespmem:v46+s10+$0x0], $0xffff  }
0x114: {  	v48 =	vor.u32 $0x7, v1;
	_ =	sdelay $0x3  }
0x115: {  	[tilespmem:v47+s15+$0x0] =	vst.idx.msk $0xffff, v3  }
0x116: {  	v49 =	vor.u32 $0x7, v2;
	v3 =	vld.idx.msk [tilespmem:v48+s10+$0x0], $0xffff  }
0x117: {  	v50 =	vor.u32 $0x8, v1;
	_ =	sdelay $0x3  }
0x118: {  	[tilespmem:v49+s15+$0x0] =	vst.idx.msk $0xffff, v3  }
0x119: {  	v51 =	vor.u32 $0x8, v2;
	v3 =	vld.idx.msk [tilespmem:v50+s10+$0x0], $0xffff  }
0x11a: {  	v52 =	vor.u32 $0x9, v1;
	_ =	sdelay $0x3  }
0x11b: {  	[tilespmem:v51+s15+$0x0] =	vst.idx.msk $0xffff, v3  }
0x11c: {  	v53 =	vor.u32 $0x9, v2;
	v3 =	vld.idx.msk [tilespmem:v52+s10+$0x0], $0xffff  }
0x11d: {  	v54 =	vor.u32 $0xA, v1;
	_ =	sdelay $0x3  }
0x11e: {  	[tilespmem:v53+s15+$0x0] =	vst.idx.msk $0xffff, v3  }
0x11f: {  	v55 =	vor.u32 $0xA, v2;
	v3 =	vld.idx.msk [tilespmem:v54+s10+$0x0], $0xffff  }
0x120: {  	v56 =	vor.u32 $0xB, v1;
	_ =	sdelay $0x3  }
0x121: {  	[tilespmem:v55+s15+$0x0] =	vst.idx.msk $0xffff, v3  }
0x122: {  	v57 =	vor.u32 $0xB, v2;
	v3 =	vld.idx.msk [tilespmem:v56+s10+$0x0], $0xffff  }
0x123: {  	v58 =	vor.u32 $0xC, v1;
	_ =	sdelay $0x3  }
0x124: {  	[tilespmem:v57+s15+$0x0] =	vst.idx.msk $0xffff, v3  }
0x125: {  	v59 =	vor.u32 $0xC, v2;
	v3 =	vld.idx.msk [tilespmem:v58+s10+$0x0], $0xffff  }
0x126: {  	v60 =	vor.u32 $0xD, v1;
	_ =	sdelay $0x3  }
0x127: {  	[tilespmem:v59+s15+$0x0] =	vst.idx.msk $0xffff, v3  }
0x128: {  	v61 =	vor.u32 $0xD, v2;
	v3 =	vld.idx.msk [tilespmem:v60+s10+$0x0], $0xffff  }
0x129: {  	v62 =	vor.u32 $0xE, v1;
	_ =	sdelay $0x3  }
0x12a: {  	[tilespmem:v61+s15+$0x0] =	vst.idx.msk $0xffff, v3  }
0x12b: {  	v63 =	vor.u32 $0xE, v2;
	v3 =	vld.idx.msk [tilespmem:v62+s10+$0x0], $0xffff  }
0x12c: {  	v1 =	vor.u32 $0xF, v1;
	_ =	sdelay $0x3  }
0x12d: {  	[tilespmem:v63+s15+$0x0] =	vst.idx.msk $0xffff, v3  }
0x12e: {  	s30 =	sshll.u32 s21, $0x5;
	v2 =	vor.u32 $0xF, v2;
	v1 =	vld.idx.msk [tilespmem:v1+s10+$0x0], $0xffff  }
0x12f: {  	s23 =	sadd.s32 s5, s30  }
0x130: {  	s23 =	sshrl.u32 s23, $0x3  }
0x131: {  	s23 =	smul.u32 $0x180, s23  }
0x132: {  	p0 =	seq.s32 s21, $0xF  }
.Ltmp1:
0x133: {  	s31 =	sadd.s32 s4, s23;
	s23 =	simm.s32 $0x0;
	[tilespmem:v2+s15+$0x0] =	vst.idx.msk $0xffff, v1;
	(pc) =	sbr.rel @p0 .LBB2_8-.Ltmp1, $4  }
0x134: {  	[hbm4b:s31+s23] =	stream.linear.scatter [tilespmem:s15], [sflag:$0x3], $0x1800, $0x38;
	[tilespmem:$0x18300] =	vst v63  }
0x135: {  	_ =	swait.ge [sflag:s8], $0x1800  }
0x136: {  	[sflag:s8] =	ssyncset.done $0x0  }
0x137: {  	s24 =	simm.s32 $0x2800;
	[sflag:s8] =	ssyncadd.s32 $0xFFFFE800  }
0x138: {  	s25 =	sadd.s32 $0x0, s18  }
0x139: {  	s26 =	sand.u32 $0x70, s23;
	s25 =	sand.u32 $0xFF80, s25  }
0x13a: {  	s26 =	sor.u32 s26, s25  }
0x13b: {  	v1 =	vld [tilespmem:s26+$0x0];
	_ =	sdelay $0x3  }
0x13c: {  	s28 =	sadd.s32 $0x10, s18;
	s25 =	simm.s32 $0x10;
	s26 =	simm.s32 $0x20  }
.LBB2_6:
0x13d: {  	p0 =	sne.s32 s26, $0x130;
	s28 =	sand.u32 $0xFF80, s28;
	s25 =	sand.u32 $0x70, s25;
	v1 =	vshra.s32 v1, $0x3  }
0x13e: {  	s28 =	sor.u32 s25, s28;
	[tilespmem:s24+$0x0] =	vst v1;
	s25 =	smov.u32 s26  }
.Ltmp2:
0x13f: {  	v1 =	vld [tilespmem:s28+$0x0];
	(pc) =	sbr.rel @p0 .LBB2_6-.Ltmp2, $2  }
0x140: {  	_ =	sdelay $0x2  }
0x141: {  	s26 =	sadd.s32 $0x10, s26;
	s24 =	sadd.s32 $0x10, s24;
	s28 =	sadd.s32 s25, s18  }
0x142: {  	s26 =	sand.u32 $0xFF80, s28;
	s25 =	sand.u32 $0x70, s25;
	v1 =	vshra.s32 v1, $0x3  }
0x143: {  	s25 =	sor.u32 s25, s26;
	[tilespmem:s24+$0x0] =	vst v1  }
0x144: {  	v1 =	vld [tilespmem:s25+$0x0];
	_ =	sdelay $0x4  }
0x145: {  	s31 =	sadd.s32 $0x10, s24;
	v1 =	vshra.s32 v1, $0x3  }
0x146: {  	[tilespmem:s31+$0x0] =	vst v1  }
0x147: {  	[tilespmem:s10], [sflag:$0x1] =	stream.indirect.gather [hbm4b:s3+s11], $0x80, s9, s11, $0xb8;
	[tilespmem:$0x18300] =	vst v63  }
.LBB2_8:
0x148: {  	_ =	swait.ge [sflag:s16], $0xA000  }
0x149: {  	[sflag:s16] =	ssyncset.done $0x0  }
0x14a: {  	[sflag:s16] =	ssyncadd.s32 $0xFFFF6000  }
0x14b: {  	v1 =	vld [tilespmem:s19+$0x0];
	_ =	sdelay $0x1  }
0x14c: {  	v2 =	vor.u32 s23, v0  }
0x14d: {  	v3 =	vmul.u32 $0xCCCD, v2;
	_ =	sdelay $0x1  }
0x14e: {  	v4 =	vshrl.u32 v3, $0x14;
	v1 =	vshll.u32 v1, $0x4  }
0x14f: {  	v5 =	vshll.u32 v2, $0x7;
	v4 =	vmul.u32 $0xFFFFFEC, v4;
	v1 =	vand.u32 $0x70, v1  }
0x150: {  	v1 =	vor.u32 v5, v1  }
0x151: {  	v35 =	vshrl.u32 v3, $0x17;
	v3 =	vshrl.u32 v3, $0xD;
	v2 =	vadd.s32 v2, v4  }
0x152: {  	v4 =	vshll.u32 v2, $0x4;
	v2 =	vshll.u32 v2, $0x7;
	v5 =	vmul.u32 $0xC00, v35  }
0x153: {  	v3 =	vand.u32 $0x380, v3;
	v4 =	vand.u32 $0x70, v4;
	v2 =	vand.u32 $0xFFFFFC00, v2  }
0x154: {  	v3 =	vor.u32 v3, v4;
	v2 =	vadd.s32 v5, v2  }
0x155: {  	v2 =	vor.u32 v2, v3;
	v36 =	vld.idx.msk [tilespmem:v1+s13+$0x0], $0xffff  }
0x156: {  	v3 =	vor.u32 $0x1, v1;
	_ =	sdelay $0x3  }
0x157: {  	[tilespmem:v2+s15+$0x0] =	vst.idx.msk $0xffff, v36  }
0x158: {  	v37 =	vor.u32 $0x1, v2;
	v3 =	vld.idx.msk [tilespmem:v3+s13+$0x0], $0xffff  }
0x159: {  	v38 =	vor.u32 $0x2, v1;
	_ =	sdelay $0x3  }
0x15a: {  	[tilespmem:v37+s15+$0x0] =	vst.idx.msk $0xffff, v3  }
0x15b: {  	v39 =	vor.u32 $0x2, v2;
	v3 =	vld.idx.msk [tilespmem:v38+s13+$0x0], $0xffff  }
0x15c: {  	v40 =	vor.u32 $0x3, v1;
	_ =	sdelay $0x3  }
0x15d: {  	[tilespmem:v39+s15+$0x0] =	vst.idx.msk $0xffff, v3  }
0x15e: {  	v41 =	vor.u32 $0x3, v2;
	v3 =	vld.idx.msk [tilespmem:v40+s13+$0x0], $0xffff  }
0x15f: {  	v42 =	vor.u32 $0x4, v1;
	_ =	sdelay $0x3  }
0x160: {  	[tilespmem:v41+s15+$0x0] =	vst.idx.msk $0xffff, v3  }
0x161: {  	v43 =	vor.u32 $0x4, v2;
	v3 =	vld.idx.msk [tilespmem:v42+s13+$0x0], $0xffff  }
0x162: {  	v44 =	vor.u32 $0x5, v1;
	_ =	sdelay $0x3  }
0x163: {  	[tilespmem:v43+s15+$0x0] =	vst.idx.msk $0xffff, v3  }
0x164: {  	v45 =	vor.u32 $0x5, v2;
	v3 =	vld.idx.msk [tilespmem:v44+s13+$0x0], $0xffff  }
0x165: {  	v46 =	vor.u32 $0x6, v1;
	_ =	sdelay $0x3  }
0x166: {  	[tilespmem:v45+s15+$0x0] =	vst.idx.msk $0xffff, v3  }
0x167: {  	v47 =	vor.u32 $0x6, v2;
	v3 =	vld.idx.msk [tilespmem:v46+s13+$0x0], $0xffff  }
0x168: {  	v48 =	vor.u32 $0x7, v1;
	_ =	sdelay $0x3  }
0x169: {  	[tilespmem:v47+s15+$0x0] =	vst.idx.msk $0xffff, v3  }
0x16a: {  	v49 =	vor.u32 $0x7, v2;
	v3 =	vld.idx.msk [tilespmem:v48+s13+$0x0], $0xffff  }
0x16b: {  	v50 =	vor.u32 $0x8, v1;
	_ =	sdelay $0x3  }
0x16c: {  	[tilespmem:v49+s15+$0x0] =	vst.idx.msk $0xffff, v3  }
0x16d: {  	v51 =	vor.u32 $0x8, v2;
	v3 =	vld.idx.msk [tilespmem:v50+s13+$0x0], $0xffff  }
0x16e: {  	v52 =	vor.u32 $0x9, v1;
	_ =	sdelay $0x3  }
0x16f: {  	[tilespmem:v51+s15+$0x0] =	vst.idx.msk $0xffff, v3  }
0x170: {  	v53 =	vor.u32 $0x9, v2;
	v3 =	vld.idx.msk [tilespmem:v52+s13+$0x0], $0xffff  }
0x171: {  	v54 =	vor.u32 $0xA, v1;
	_ =	sdelay $0x3  }
0x172: {  	[tilespmem:v53+s15+$0x0] =	vst.idx.msk $0xffff, v3  }
0x173: {  	v55 =	vor.u32 $0xA, v2;
	v3 =	vld.idx.msk [tilespmem:v54+s13+$0x0], $0xffff  }
0x174: {  	v56 =	vor.u32 $0xB, v1;
	_ =	sdelay $0x3  }
0x175: {  	[tilespmem:v55+s15+$0x0] =	vst.idx.msk $0xffff, v3  }
0x176: {  	v57 =	vor.u32 $0xB, v2;
	v3 =	vld.idx.msk [tilespmem:v56+s13+$0x0], $0xffff  }
0x177: {  	v58 =	vor.u32 $0xC, v1;
	_ =	sdelay $0x3  }
0x178: {  	[tilespmem:v57+s15+$0x0] =	vst.idx.msk $0xffff, v3  }
0x179: {  	v59 =	vor.u32 $0xC, v2;
	v3 =	vld.idx.msk [tilespmem:v58+s13+$0x0], $0xffff  }
0x17a: {  	v60 =	vor.u32 $0xD, v1;
	_ =	sdelay $0x3  }
0x17b: {  	[tilespmem:v59+s15+$0x0] =	vst.idx.msk $0xffff, v3  }
0x17c: {  	v61 =	vor.u32 $0xD, v2;
	v3 =	vld.idx.msk [tilespmem:v60+s13+$0x0], $0xffff  }
0x17d: {  	v62 =	vor.u32 $0xE, v1;
	_ =	sdelay $0x3  }
0x17e: {  	[tilespmem:v61+s15+$0x0] =	vst.idx.msk $0xffff, v3  }
0x17f: {  	v63 =	vor.u32 $0xE, v2;
	v3 =	vld.idx.msk [tilespmem:v62+s13+$0x0], $0xffff  }
0x180: {  	v1 =	vor.u32 $0xF, v1;
	_ =	sdelay $0x3  }
0x181: {  	[tilespmem:v63+s15+$0x0] =	vst.idx.msk $0xffff, v3  }
0x182: {  	s23 =	simm.s32 $0x10;
	s24 =	smov.u32 s19;
	v2 =	vor.u32 $0xF, v2;
	v1 =	vld.idx.msk [tilespmem:v1+s13+$0x0], $0xffff  }
.LBB2_9:
0x183: {  	_ =	sdelay $0x2  }
0x184: {  	p0 =	sne.s32 s23, $0x130  }
0x185: {  	s24 =	sadd.s32 $0x10, s24;
	s25 =	smov.u32 s23;
	s23 =	sadd.s32 $0x10, s23;
	[tilespmem:v2+s15+$0x0] =	vst.idx.msk $0xffff, v1  }
0x186: {  	v1 =	vld [tilespmem:s24+$0x0];
	_ =	sdelay $0x2  }
0x187: {  	v2 =	vor.u32 s25, v0  }
0x188: {  	v3 =	vmul.u32 $0xCCCD, v2  }
0x189: {  	v1 =	vshll.u32 v1, $0x4  }
0x18a: {  	v5 =	vshll.u32 v2, $0x7;
	v4 =	vshrl.u32 v3, $0x14;
	v1 =	vand.u32 $0x70, v1  }
0x18b: {  	v4 =	vmul.u32 $0xFFFFFEC, v4;
	v1 =	vor.u32 v5, v1;
	v5 =	vshrl.u32 v3, $0x17  }
0x18c: {  	v3 =	vshrl.u32 v3, $0xD  }
0x18d: {  	v2 =	vadd.s32 v2, v4  }
0x18e: {  	v4 =	vshll.u32 v2, $0x4;
	v2 =	vshll.u32 v2, $0x7;
	v5 =	vmul.u32 $0xC00, v5  }
0x18f: {  	v4 =	vand.u32 $0x70, v4;
	v2 =	vand.u32 $0xFFFFFC00, v2;
	v3 =	vand.u32 $0x380, v3  }
0x190: {  	v3 =	vor.u32 v3, v4;
	v2 =	vadd.s32 v5, v2;
	v6 =	vld.idx.msk [tilespmem:v1+s13+$0x0], $0xffff  }
0x191: {  	v2 =	vor.u32 v2, v3  }
0x192: {  	v3 =	vor.u32 $0x1, v1;
	_ =	sdelay $0x3  }
0x193: {  	[tilespmem:v2+s15+$0x0] =	vst.idx.msk $0xffff, v6  }
0x194: {  	v3 =	vld.idx.msk [tilespmem:v3+s13+$0x0], $0xffff  }
0x195: {  	v4 =	vor.u32 $0x1, v2  }
0x196: {  	v5 =	vor.u32 $0x2, v1;
	_ =	sdelay $0x3  }
0x197: {  	[tilespmem:v4+s15+$0x0] =	vst.idx.msk $0xffff, v3  }
0x198: {  	v3 =	vld.idx.msk [tilespmem:v5+s13+$0x0], $0xffff  }
0x199: {  	v4 =	vor.u32 $0x2, v2  }
0x19a: {  	v5 =	vor.u32 $0x3, v1;
	_ =	sdelay $0x3  }
0x19b: {  	[tilespmem:v4+s15+$0x0] =	vst.idx.msk $0xffff, v3  }
0x19c: {  	v3 =	vld.idx.msk [tilespmem:v5+s13+$0x0], $0xffff  }
0x19d: {  	v4 =	vor.u32 $0x3, v2  }
0x19e: {  	v5 =	vor.u32 $0x4, v1;
	_ =	sdelay $0x3  }
0x19f: {  	[tilespmem:v4+s15+$0x0] =	vst.idx.msk $0xffff, v3  }
0x1a0: {  	v3 =	vld.idx.msk [tilespmem:v5+s13+$0x0], $0xffff  }
0x1a1: {  	v4 =	vor.u32 $0x4, v2  }
0x1a2: {  	v5 =	vor.u32 $0x5, v1;
	_ =	sdelay $0x3  }
0x1a3: {  	[tilespmem:v4+s15+$0x0] =	vst.idx.msk $0xffff, v3  }
0x1a4: {  	v3 =	vld.idx.msk [tilespmem:v5+s13+$0x0], $0xffff  }
0x1a5: {  	v4 =	vor.u32 $0x5, v2  }
0x1a6: {  	v5 =	vor.u32 $0x6, v1;
	_ =	sdelay $0x3  }
0x1a7: {  	[tilespmem:v4+s15+$0x0] =	vst.idx.msk $0xffff, v3  }
0x1a8: {  	v3 =	vld.idx.msk [tilespmem:v5+s13+$0x0], $0xffff  }
0x1a9: {  	v4 =	vor.u32 $0x6, v2  }
0x1aa: {  	v5 =	vor.u32 $0x7, v1;
	_ =	sdelay $0x3  }
0x1ab: {  	[tilespmem:v4+s15+$0x0] =	vst.idx.msk $0xffff, v3  }
0x1ac: {  	v3 =	vld.idx.msk [tilespmem:v5+s13+$0x0], $0xffff  }
0x1ad: {  	v4 =	vor.u32 $0x7, v2  }
0x1ae: {  	v5 =	vor.u32 $0x8, v1;
	_ =	sdelay $0x3  }
0x1af: {  	[tilespmem:v4+s15+$0x0] =	vst.idx.msk $0xffff, v3  }
0x1b0: {  	v3 =	vld.idx.msk [tilespmem:v5+s13+$0x0], $0xffff  }
0x1b1: {  	v4 =	vor.u32 $0x8, v2  }
0x1b2: {  	v5 =	vor.u32 $0x9, v1;
	_ =	sdelay $0x3  }
0x1b3: {  	[tilespmem:v4+s15+$0x0] =	vst.idx.msk $0xffff, v3  }
0x1b4: {  	v3 =	vld.idx.msk [tilespmem:v5+s13+$0x0], $0xffff  }
0x1b5: {  	v4 =	vor.u32 $0x9, v2  }
0x1b6: {  	v5 =	vor.u32 $0xA, v1;
	_ =	sdelay $0x3  }
0x1b7: {  	[tilespmem:v4+s15+$0x0] =	vst.idx.msk $0xffff, v3  }
0x1b8: {  	v3 =	vld.idx.msk [tilespmem:v5+s13+$0x0], $0xffff  }
0x1b9: {  	v4 =	vor.u32 $0xA, v2  }
0x1ba: {  	v5 =	vor.u32 $0xB, v1;
	_ =	sdelay $0x3  }
0x1bb: {  	[tilespmem:v4+s15+$0x0] =	vst.idx.msk $0xffff, v3  }
0x1bc: {  	v3 =	vld.idx.msk [tilespmem:v5+s13+$0x0], $0xffff  }
0x1bd: {  	v4 =	vor.u32 $0xB, v2  }
0x1be: {  	v5 =	vor.u32 $0xC, v1;
	_ =	sdelay $0x3  }
0x1bf: {  	[tilespmem:v4+s15+$0x0] =	vst.idx.msk $0xffff, v3  }
0x1c0: {  	v3 =	vld.idx.msk [tilespmem:v5+s13+$0x0], $0xffff  }
0x1c1: {  	v4 =	vor.u32 $0xC, v2  }
0x1c2: {  	v5 =	vor.u32 $0xD, v1;
	_ =	sdelay $0x3  }
0x1c3: {  	[tilespmem:v4+s15+$0x0] =	vst.idx.msk $0xffff, v3  }
0x1c4: {  	v3 =	vld.idx.msk [tilespmem:v5+s13+$0x0], $0xffff  }
0x1c5: {  	v4 =	vor.u32 $0xD, v2  }
0x1c6: {  	v5 =	vor.u32 $0xE, v1;
	_ =	sdelay $0x3  }
0x1c7: {  	[tilespmem:v4+s15+$0x0] =	vst.idx.msk $0xffff, v3  }
0x1c8: {  	v3 =	vld.idx.msk [tilespmem:v5+s13+$0x0], $0xffff  }
0x1c9: {  	v4 =	vor.u32 $0xE, v2  }
0x1ca: {  	v1 =	vor.u32 $0xF, v1;
	_ =	sdelay $0x1  }
.Ltmp3:
0x1cb: {  	(pc) =	sbr.rel @p0 .LBB2_9-.Ltmp3, $4  }
0x1cc: {  	_ = 	snop  }
0x1cd: {  	[tilespmem:v4+s15+$0x0] =	vst.idx.msk $0xffff, v3  }
0x1ce: {  	v1 =	vld.idx.msk [tilespmem:v1+s13+$0x0], $0xffff  }
0x1cf: {  	v2 =	vor.u32 $0xF, v2  }
0x1d0: {  	s22 =	sshll.u32 s22, $0x4  }
0x1d1: {  	s22 =	sadd.s32 s5, s22  }
0x1d2: {  	s22 =	sshrl.u32 s22, $0x3  }
0x1d3: {  	s21 =	sadd.s32 $0x1, s21;
	s22 =	smul.u32 $0x180, s22  }
0x1d4: {  	p0 =	sne.s32 s21, $0x10  }
.Ltmp4:
0x1d5: {  	[tilespmem:v2+s15+$0x0] =	vst.idx.msk $0xffff, v1;
	s22 =	sadd.s32 s4, s22;
	(pc) =	sbr.rel @p0 .LBB2_2-.Ltmp4, $4  }
0x1d6: {  	[hbm4b:s22+s2] =	stream.linear.scatter [tilespmem:s15], [sflag:$0x3], $0x1800, $0x38;
	[tilespmem:$0x18300] =	vst v63  }
0x1d7: {  	_ =	swait.ge [sflag:s8], $0x1800  }
0x1d8: {  	s20 =	sadd.s32 $0x280, s20;
	[sflag:s8] =	ssyncset.done $0x0  }
0x1d9: {  	s18 =	sadd.s32 $0x280, s18;
	s19 =	sadd.s32 $0x280, s19;
	[sflag:s8] =	ssyncadd.s32 $0xFFFFE800  }
0x1da: {  	s17 =	sadd.s32 $0x1, s17  }
0x1db: {  	p0 =	sne.s32 s17, s7  }
.Ltmp5:
0x1dc: {  	_ = 	snop;
	(pc) =	sbr.rel @p0 .LBB2_1-.Ltmp5, $1  }
0x1dd: {  	_ =	sdelay $0x3  }
0x1de: {  	_ =	sfence.sel $0x180000  }
0x1df: {  	[bflag:$0x0] =	sbarrier.arrive $0xFFFF  }
0x1e0: {  	p0 =	sne.s32 s0, $0x0;
	_ =	strace $0x90000047  }
0x1e1: {  	s0 =	sadd.s32 @!p0 $0x100000, s1;
	[bflag:$0x2] =	sbarrier.arrive $0xFFFF  }
0x1e2: {  	[sflag:s0] =	ssyncadd.tile.s32 @!p0 $0x1;
	_ =	shalt  }
.Lfunc_end2:
_tile_overlayer_lowered:
.L_overlay_start_2:
0x1e3: {  	(tag) =	ssettag $0x2  }
0x1e4: {  	s0 =	rddreg [dreg:$0x0];
	s2 =	stileid.u32  }
0x1e5: {  	s1 =	rddreg [dreg:$0x1];
	p0 =	sne.s32 s2, $0x0  }
0x1e6: {  	s3 =	rddreg [dreg:$0x2];
	[bflag:$0x3] =	sbarrier.arrive $0xFFFF;
	s2 =	simm.s32 @!p0 $0x1C03  }
0x1e7: {  	[timem:s3], [sflag:s2] =	dma.local @!p0 [hbm:s0], s1  }
0x1e8: {  	s0 =	simm.s32 @!p0 $0x3  }
0x1e9: {  	_ =	swait.ge @!p0 [sflag:s0], s1  }
0x1ea: {  	s1 =	ssub.s32 @!p0 $0x0, s1;
	[sflag:s0] =	ssyncset.done @!p0 $0x0  }
0x1eb: {  	[sflag:s0] =	ssyncadd.s32 @!p0 s1  }
0x1ec: {  	[bflag:$0x3] =	sbarrier.arrive $0xFFFF  }
0x1ed: {  	_ =	shalt  }

</sc_bundles>
